<compile_context>
chip_gen: v7x
topology: tpu7x:2x2x1
jax: 0.10.2.dev20260603
libtpu: 0.0.44.dev20260713+nightly
codegen_flags: <defaults>
</compile_context>

<pallas_src>
import functools

import jax
import jax.numpy as jnp
from jax import lax
from jax.experimental import pallas as pl
from jax.experimental.pallas import tpu as pltpu
from jax.experimental.pallas import tpu_sc as plsc

_N = 10000
_E = 320000
_H = 128

_NC = 2
_NS = 16
_NW = _NC * _NS
_C = 80
_NCHUNK = 125
_EPW = _NCHUNK * _C
_NPAD = 10240
_ZC = 64
_ZPS = (_NPAD // _ZC) // _NS
_WC = 128
_WPS = (_NPAD // _WC) // _NS

_BLK = 1000


def _mlp_body(x_ref, w_ref, b_ref, y_ref):
    y = jnp.dot(x_ref[...], w_ref[...], preferred_element_type=jnp.float32)
    y_ref[...] = jnp.maximum(y + b_ref[...], 0.0)


def _node_mlp(x, w1t, b1):
    return pl.pallas_call(
        _mlp_body,
        grid=(_N // _BLK,),
        in_specs=[
            pl.BlockSpec((_BLK, _H), lambda i: (i, 0)),
            pl.BlockSpec((_H, _H), lambda i: (0, 0)),
            pl.BlockSpec((1, _H), lambda i: (0, 0)),
        ],
        out_specs=pl.BlockSpec((_BLK, _H), lambda i: (i, 0)),
        out_shape=jax.ShapeDtypeStruct((_N, _H), jnp.float32),
    )(x, w1t, b1)


def _seg_sum_body(y_hbm, row_hbm, col_hbm, out_hbm,
                  ridx0, ridx1, ridx2, ridx3, cidx0, cidx1, cidx2, cidx3,
                  rows0, rows1, rows2, rows3, acc,
                  sg0, sg1, sg2, sg3, sr0, sr1, sr2, sr3,
                  sc0, sc1, sc2, sc3, ss0, ss1, ss2, ss3):
    c = lax.axis_index("c")
    s = lax.axis_index("s")
    wid = s * _NC + c
    ridx = [ridx0, ridx1, ridx2, ridx3]
    cidx = [cidx0, cidx1, cidx2, cidx3]
    rows = [rows0, rows1, rows2, rows3]
    sgs = [sg0, sg1, sg2, sg3]
    srs = [sr0, sr1, sr2, sr3]
    scs = [sc0, sc1, sc2, sc3]
    sss = [ss0, ss1, ss2, ss3]

    pltpu.async_copy(row_hbm.at[wid, 0], ridx0, sr0)
    pltpu.async_copy(row_hbm.at[wid, 1], ridx1, sr1)
    pltpu.async_copy(row_hbm.at[wid, 2], ridx2, sr2)
    pltpu.async_copy(row_hbm.at[wid, 3], ridx3, sr3)
    pltpu.async_copy(col_hbm.at[wid, 0], cidx0, sc0)
    pltpu.async_copy(col_hbm.at[wid, 1], cidx1, sc1)

    zero16 = jnp.zeros((16,), jnp.float32)

    def zrows(i, carry):
        rows3[i // (_H // 16), pl.ds((i % (_H // 16)) * 16, 16)] = zero16
        return carry

    lax.fori_loop(0, _C * (_H // 16), zrows, 0)

    def zacc(k, carry):
        j = s * _ZPS + k
        pltpu.sync_copy(rows3.at[pl.ds(0, _ZC)], acc.at[pl.ds(j * _ZC, _ZC)])
        return carry

    lax.fori_loop(0, _ZPS, zacc, 0)

    pltpu.make_async_copy(row_hbm.at[wid, 0], ridx0, sr0).wait()
    pltpu.async_copy(y_hbm.at[ridx0], rows0, sg0)
    pltpu.make_async_copy(row_hbm.at[wid, 0], ridx1, sr1).wait()
    pltpu.async_copy(y_hbm.at[ridx1], rows1, sg1)
    pltpu.make_async_copy(row_hbm.at[wid, 0], ridx2, sr2).wait()
    pltpu.async_copy(y_hbm.at[ridx2], rows2, sg2)
    plsc.subcore_barrier()

    def _chunk(j, m):
        n3 = (m + 3) % 4
        pltpu.make_async_copy(y_hbm.at[ridx[m]], rows[m], sgs[m]).wait()

        @pl.when(j >= 1)
        def _():
            pltpu.make_async_copy(rows[n3], acc.at[cidx[n3]], sss[n3]).wait()

        @pl.when(j + 3 < _NCHUNK)
        def _():
            pltpu.make_async_copy(row_hbm.at[wid, 0], ridx[n3], srs[n3]).wait()
            pltpu.async_copy(y_hbm.at[ridx[n3]], rows[n3], sgs[n3])

        pltpu.make_async_copy(col_hbm.at[wid, 0], cidx[m], scs[m]).wait()
        pltpu.async_copy(rows[m], acc.at[cidx[m]], sss[m], add=True)

        @pl.when(j + 4 < _NCHUNK)
        def _():
            pltpu.async_copy(row_hbm.at[wid, j + 4], ridx[m], srs[m])

        @pl.when(j + 2 < _NCHUNK)
        def _():
            pltpu.async_copy(col_hbm.at[wid, j + 2], cidx[(m + 2) % 4], scs[(m + 2) % 4])

    def quad(q, carry):
        j0 = q * 4
        for m in range(4):
            _chunk(j0 + m, m)
        return carry

    lax.fori_loop(0, _NCHUNK // 4, quad, 0)
    _chunk(jnp.int32(_NCHUNK - 1), 0)
    pltpu.make_async_copy(rows[0], acc.at[cidx[0]], sss[0]).wait()
    plsc.subcore_barrier()

    def wout(k, carry):
        j = s * _WPS + k
        pltpu.sync_copy(acc.at[pl.ds(j * _WC, _WC)], out_hbm.at[c, pl.ds(j * _WC, _WC)])
        return carry

    lax.fori_loop(0, _WPS, wout, 0)


def _seg_sum_sc(y, row3, col3):
    mesh = plsc.VectorSubcoreMesh(
        core_axis_name="c", subcore_axis_name="s",
        num_cores=_NC, num_subcores=_NS)
    f = functools.partial(
        pl.kernel,
        mesh=mesh,
        out_type=jax.ShapeDtypeStruct((_NC, _NPAD, _H), jnp.float32),
        scratch_types=(
            [pltpu.VMEM((_C,), jnp.int32)] * 8
            + [pltpu.VMEM((_C, _H), jnp.float32)] * 4
            + [pltpu.VMEM_SHARED((_NPAD, _H), jnp.float32)]
            + [pltpu.SemaphoreType.DMA] * 16
        ),
    )(_seg_sum_body)
    return f(y, row3, col3)


def _gru_head_body(p_ref, x_ref, h_ref, wih_ref, whh_ref, bih_ref, bhh_ref,
                   wg_ref, bg_ref, wax_ref, wag_ref, ba_ref, a_ref, hn_ref):
    xt = p_ref[0] + p_ref[1]
    h0 = h_ref[...]
    gi = jnp.dot(xt, wih_ref[...], preferred_element_type=jnp.float32) + bih_ref[...]
    gh = jnp.dot(h0, whh_ref[...], preferred_element_type=jnp.float32) + bhh_ref[...]
    r = jax.nn.sigmoid(gi[:, :_H] + gh[:, :_H])
    z = jax.nn.sigmoid(gi[:, _H:2 * _H] + gh[:, _H:2 * _H])
    n = jnp.tanh(gi[:, 2 * _H:] + r * gh[:, 2 * _H:])
    hn = (1.0 - z) * n + z * h0
    hn_ref[...] = hn
    g = jnp.maximum(
        jnp.dot(hn, wg_ref[...], preferred_element_type=jnp.float32) + bg_ref[...], 0.0)
    sacc = (jnp.dot(x_ref[...], wax_ref[...], preferred_element_type=jnp.float32)
            + jnp.dot(g, wag_ref[...], preferred_element_type=jnp.float32)
            + ba_ref[...])
    a_ref[...] = jax.nn.softplus(sacc)


def _gru_head(p, x, h, wiht, whht, bih, bhh, wgt, bg, waxt, wagt, ba):
    return pl.pallas_call(
        _gru_head_body,
        grid=(_N // _BLK,),
        in_specs=[
            pl.BlockSpec((_NC, _BLK, _H), lambda i: (0, i, 0)),
            pl.BlockSpec((_BLK, _H), lambda i: (i, 0)),
            pl.BlockSpec((_BLK, _H), lambda i: (i, 0)),
            pl.BlockSpec((_H, 3 * _H), lambda i: (0, 0)),
            pl.BlockSpec((_H, 3 * _H), lambda i: (0, 0)),
            pl.BlockSpec((1, 3 * _H), lambda i: (0, 0)),
            pl.BlockSpec((1, 3 * _H), lambda i: (0, 0)),
            pl.BlockSpec((_H, _H), lambda i: (0, 0)),
            pl.BlockSpec((1, _H), lambda i: (0, 0)),
            pl.BlockSpec((_H, 1), lambda i: (0, 0)),
            pl.BlockSpec((_H, 1), lambda i: (0, 0)),
            pl.BlockSpec((1, 1), lambda i: (0, 0)),
        ],
        out_specs=[
            pl.BlockSpec((_BLK, 1), lambda i: (i, 0)),
            pl.BlockSpec((_BLK, _H), lambda i: (i, 0)),
        ],
        out_shape=[
            jax.ShapeDtypeStruct((_N, 1), jnp.float32),
            jax.ShapeDtypeStruct((_N, _H), jnp.float32),
        ],
    )(p, x, h, wiht, whht, bih, bhh, wgt, bg, waxt, wagt, ba)


def kernel(x, edge_index, h, W1, b1, W_ih, W_hh, b_ih, b_hh, Wg, bg, Wa, ba):
    row3 = edge_index[0].reshape(_NW, _NCHUNK, _C)
    col3 = edge_index[1].reshape(_NW, _NCHUNK, _C)
    y = _node_mlp(x, W1.T, b1.reshape(1, _H))
    p = _seg_sum_sc(y, row3, col3)
    a, h_new = _gru_head(
        p, x, h,
        W_ih.T, W_hh.T, b_ih.reshape(1, 3 * _H), b_hh.reshape(1, 3 * _H),
        Wg.T, bg.reshape(1, _H),
        Wa[:, :_H].T, Wa[:, _H:].T, ba.reshape(1, 1))
    return (a, h_new)

# --- scband reference (transcript-rebuilt; emitter-appended) ---
"""Pipeline reference for scband-actor-7928509629007 (READ-ONLY COPY).

The authoritative reference and input builder live on the scoring server;
editing this copy changes nothing except your own understanding.
"""

import jax, jax.numpy as jnp
import numpy as np

N = 10000
E = 320000
D = 128
H = 128
OUT = 1


def setup_inputs(seed: int = 0) -> dict:
    key = jax.random.key(seed)
    ks = jax.random.split(key, 13)
    s = 0.05
    x = jax.random.normal(ks[0], (N, D), dtype=jnp.float32)
    edge_index = jax.random.randint(ks[1], (2, E), 0, N, dtype=jnp.int32)
    h = jax.random.normal(ks[2], (N, H), dtype=jnp.float32)
    W1 = jax.random.normal(ks[3], (H, D), dtype=jnp.float32) * s
    b1 = jax.random.normal(ks[4], (H,), dtype=jnp.float32) * s
    W_ih = jax.random.normal(ks[5], (3 * H, H), dtype=jnp.float32) * s
    W_hh = jax.random.normal(ks[6], (3 * H, H), dtype=jnp.float32) * s
    b_ih = jax.random.normal(ks[7], (3 * H,), dtype=jnp.float32) * s
    b_hh = jax.random.normal(ks[8], (3 * H,), dtype=jnp.float32) * s
    Wg = jax.random.normal(ks[9], (H, H), dtype=jnp.float32) * s
    bg = jax.random.normal(ks[10], (H,), dtype=jnp.float32) * s
    Wa = jax.random.normal(ks[11], (OUT, D + H), dtype=jnp.float32) * s
    ba = jax.random.normal(ks[12], (OUT,), dtype=jnp.float32) * s
    return {"x": x, "edge_index": edge_index, "h": h, "W1": W1, "b1": b1,
            "W_ih": W_ih, "W_hh": W_hh, "b_ih": b_ih, "b_hh": b_hh,
            "Wg": Wg, "bg": bg, "Wa": Wa, "ba": ba}


def _gru_cell(x_in, h_in, W_ih, W_hh, b_ih, b_hh):
    gi = x_in @ W_ih.T + b_ih
    gh = h_in @ W_hh.T + b_hh
    i_r, i_z, i_n = jnp.split(gi, 3, axis=1)
    h_r, h_z, h_n = jnp.split(gh, 3, axis=1)
    r = jax.nn.sigmoid(i_r + h_r)
    z = jax.nn.sigmoid(i_z + h_z)
    n = jnp.tanh(i_n + r * h_n)
    return (1.0 - z) * n + z * h_in


def reference(x, edge_index, h, W1, b1, W_ih, W_hh, b_ih, b_hh, Wg, bg, Wa, ba):
    row = edge_index[0]
    col = edge_index[1]
    x_temp = x[row]
    x_temp = jax.nn.relu(x_temp @ W1.T + b1)
    x_temp = jax.ops.segment_sum(x_temp, col, num_segments=x.shape[0])
    h_new = _gru_cell(x_temp, h, W_ih, W_hh, b_ih, b_hh)
    g = jax.nn.relu(h_new @ Wg.T + bg)
    cat = jnp.concatenate([x, g], axis=1)
    a = jax.nn.softplus(cat @ Wa.T + ba)
    return (a, h_new)

if __name__ == "__main__":
    import jax
    _d = setup_inputs()
    print(jax.jit(kernel)(*tuple(_d.values())))

</pallas_src>

<mosaic_0001>
#map = affine_map<(d0, d1) -> (0, 0)>
#map1 = affine_map<(d0, d1) -> (0, 0, 0)>
module attributes {stable_mosaic.version = 14 : i64} {
  func.func @_seg_sum_body(%arg0: i32, %arg1: i32, %arg2: memref<10000x128xf32, #tpu.memory_space<hbm>>, %arg3: memref<32x125x80xi32, #tpu.memory_space<hbm>>, %arg4: memref<32x125x80xi32, #tpu.memory_space<hbm>>, %arg5: memref<2x10240x128xf32, #tpu.memory_space<hbm>>, %arg6: memref<80xi32, #tpu.memory_space<vmem>>, %arg7: memref<80xi32, #tpu.memory_space<vmem>>, %arg8: memref<80xi32, #tpu.memory_space<vmem>>, %arg9: memref<80xi32, #tpu.memory_space<vmem>>, %arg10: memref<80xi32, #tpu.memory_space<vmem>>, %arg11: memref<80xi32, #tpu.memory_space<vmem>>, %arg12: memref<80xi32, #tpu.memory_space<vmem>>, %arg13: memref<80xi32, #tpu.memory_space<vmem>>, %arg14: memref<80x128xf32, #tpu.memory_space<vmem>>, %arg15: memref<80x128xf32, #tpu.memory_space<vmem>>, %arg16: memref<80x128xf32, #tpu.memory_space<vmem>>, %arg17: memref<80x128xf32, #tpu.memory_space<vmem>>, %arg18: memref<10240x128xf32, #tpu.memory_space<vmem_shared>>, %arg19: memref<!tpu.dma_semaphore, #tpu.memory_space<semaphore_mem>>, %arg20: memref<!tpu.dma_semaphore, #tpu.memory_space<semaphore_mem>>, %arg21: memref<!tpu.dma_semaphore, #tpu.memory_space<semaphore_mem>>, %arg22: memref<!tpu.dma_semaphore, #tpu.memory_space<semaphore_mem>>, %arg23: memref<!tpu.dma_semaphore, #tpu.memory_space<semaphore_mem>>, %arg24: memref<!tpu.dma_semaphore, #tpu.memory_space<semaphore_mem>>, %arg25: memref<!tpu.dma_semaphore, #tpu.memory_space<semaphore_mem>>, %arg26: memref<!tpu.dma_semaphore, #tpu.memory_space<semaphore_mem>>, %arg27: memref<!tpu.dma_semaphore, #tpu.memory_space<semaphore_mem>>, %arg28: memref<!tpu.dma_semaphore, #tpu.memory_space<semaphore_mem>>, %arg29: memref<!tpu.dma_semaphore, #tpu.memory_space<semaphore_mem>>, %arg30: memref<!tpu.dma_semaphore, #tpu.memory_space<semaphore_mem>>, %arg31: memref<!tpu.dma_semaphore, #tpu.memory_space<semaphore_mem>>, %arg32: memref<!tpu.dma_semaphore, #tpu.memory_space<semaphore_mem>>, %arg33: memref<!tpu.dma_semaphore, #tpu.memory_space<semaphore_mem>>, %arg34: memref<!tpu.dma_semaphore, #tpu.memory_space<semaphore_mem>>) attributes {dimension_semantics = [#tpu.dimension_semantics<core_parallel>, #tpu.dimension_semantics<subcore_parallel>], iteration_bounds = array<i64: 2, 16>, scalar_prefetch = 0 : i64, scratch_operands = 29 : i64, tpu.core_type = #tpu.core_type<sc_vector_subcore>, window_params = [{transform_indices = #map}, {transform_indices = #map1}, {transform_indices = #map1}, {transform_indices = #map1}]} {
    %mul3A = arith.constant 2 : i32
    %mul3A_0 = arith.muli %arg1, %mul3A : i32
    %add3A = arith.addi %mul3A_0, %arg0 : i32
    %dma_start3A = arith.constant 0 : i32
    %dma_start3A_1 = arith.constant 0 : i32
    %dma_start3A_2 = tpu.memref_slice %arg3[%add3A, %dma_start3A, %dma_start3A_1] : memref<32x125x80xi32, #tpu.memory_space<hbm>> -> memref<1x1x80xi32, #tpu.memory_space<hbm>>
    %dma_start3A_3 = tpu.memref_squeeze %dma_start3A_2 : memref<1x1x80xi32, #tpu.memory_space<hbm>> -> memref<80xi32, #tpu.memory_space<hbm>>
    %dma_start3A_4 = arith.constant 0 : i32
    %dma_start3A_5 = tpu.memref_slice %arg3[%add3A, %dma_start3A, %dma_start3A_4] : memref<32x125x80xi32, #tpu.memory_space<hbm>> -> memref<1x1x80xi32, #tpu.memory_space<hbm>>
    %dma_start3A_6 = tpu.memref_squeeze %dma_start3A_5 : memref<1x1x80xi32, #tpu.memory_space<hbm>> -> memref<80xi32, #tpu.memory_space<hbm>>
    tpu.enqueue_dma source(%dma_start3A_6 : memref<80xi32, #tpu.memory_space<hbm>>) target(%arg6 : memref<80xi32, #tpu.memory_space<vmem>>) target_semaphore(%arg23 : memref<!tpu.dma_semaphore, #tpu.memory_space<semaphore_mem>>)
    %dma_start3A_7 = arith.constant 1 : i32
    %dma_start3A_8 = arith.constant 0 : i32
    %dma_start3A_9 = tpu.memref_slice %arg3[%add3A, %dma_start3A_7, %dma_start3A_8] : memref<32x125x80xi32, #tpu.memory_space<hbm>> -> memref<1x1x80xi32, #tpu.memory_space<hbm>>
    %dma_start3A_10 = tpu.memref_squeeze %dma_start3A_9 : memref<1x1x80xi32, #tpu.memory_space<hbm>> -> memref<80xi32, #tpu.memory_space<hbm>>
    %dma_start3A_11 = arith.constant 0 : i32
    %dma_start3A_12 = tpu.memref_slice %arg3[%add3A, %dma_start3A_7, %dma_start3A_11] : memref<32x125x80xi32, #tpu.memory_space<hbm>> -> memref<1x1x80xi32, #tpu.memory_space<hbm>>
    %dma_start3A_13 = tpu.memref_squeeze %dma_start3A_12 : memref<1x1x80xi32, #tpu.memory_space<hbm>> -> memref<80xi32, #tpu.memory_space<hbm>>
    tpu.enqueue_dma source(%dma_start3A_13 : memref<80xi32, #tpu.memory_space<hbm>>) target(%arg7 : memref<80xi32, #tpu.memory_space<vmem>>) target_semaphore(%arg24 : memref<!tpu.dma_semaphore, #tpu.memory_space<semaphore_mem>>)
    %dma_start3A_14 = arith.constant 2 : i32
    %dma_start3A_15 = arith.constant 0 : i32
    %dma_start3A_16 = tpu.memref_slice %arg3[%add3A, %dma_start3A_14, %dma_start3A_15] : memref<32x125x80xi32, #tpu.memory_space<hbm>> -> memref<1x1x80xi32, #tpu.memory_space<hbm>>
    %dma_start3A_17 = tpu.memref_squeeze %dma_start3A_16 : memref<1x1x80xi32, #tpu.memory_space<hbm>> -> memref<80xi32, #tpu.memory_space<hbm>>
    %dma_start3A_18 = arith.constant 0 : i32
    %dma_start3A_19 = tpu.memref_slice %arg3[%add3A, %dma_start3A_14, %dma_start3A_18] : memref<32x125x80xi32, #tpu.memory_space<hbm>> -> memref<1x1x80xi32, #tpu.memory_space<hbm>>
    %dma_start3A_20 = tpu.memref_squeeze %dma_start3A_19 : memref<1x1x80xi32, #tpu.memory_space<hbm>> -> memref<80xi32, #tpu.memory_space<hbm>>
    tpu.enqueue_dma source(%dma_start3A_20 : memref<80xi32, #tpu.memory_space<hbm>>) target(%arg8 : memref<80xi32, #tpu.memory_space<vmem>>) target_semaphore(%arg25 : memref<!tpu.dma_semaphore, #tpu.memory_space<semaphore_mem>>)
    %dma_start3A_21 = arith.constant 3 : i32
    %dma_start3A_22 = arith.constant 0 : i32
    %dma_start3A_23 = tpu.memref_slice %arg3[%add3A, %dma_start3A_21, %dma_start3A_22] : memref<32x125x80xi32, #tpu.memory_space<hbm>> -> memref<1x1x80xi32, #tpu.memory_space<hbm>>
    %dma_start3A_24 = tpu.memref_squeeze %dma_start3A_23 : memref<1x1x80xi32, #tpu.memory_space<hbm>> -> memref<80xi32, #tpu.memory_space<hbm>>
    %dma_start3A_25 = arith.constant 0 : i32
    %dma_start3A_26 = tpu.memref_slice %arg3[%add3A, %dma_start3A_21, %dma_start3A_25] : memref<32x125x80xi32, #tpu.memory_space<hbm>> -> memref<1x1x80xi32, #tpu.memory_space<hbm>>
    %dma_start3A_27 = tpu.memref_squeeze %dma_start3A_26 : memref<1x1x80xi32, #tpu.memory_space<hbm>> -> memref<80xi32, #tpu.memory_space<hbm>>
    tpu.enqueue_dma source(%dma_start3A_27 : memref<80xi32, #tpu.memory_space<hbm>>) target(%arg9 : memref<80xi32, #tpu.memory_space<vmem>>) target_semaphore(%arg26 : memref<!tpu.dma_semaphore, #tpu.memory_space<semaphore_mem>>)
    %dma_start3A_28 = arith.constant 0 : i32
    %dma_start3A_29 = arith.constant 0 : i32
    %dma_start3A_30 = tpu.memref_slice %arg4[%add3A, %dma_start3A_28, %dma_start3A_29] : memref<32x125x80xi32, #tpu.memory_space<hbm>> -> memref<1x1x80xi32, #tpu.memory_space<hbm>>
    %dma_start3A_31 = tpu.memref_squeeze %dma_start3A_30 : memref<1x1x80xi32, #tpu.memory_space<hbm>> -> memref<80xi32, #tpu.memory_space<hbm>>
    %dma_start3A_32 = arith.constant 0 : i32
    %dma_start3A_33 = tpu.memref_slice %arg4[%add3A, %dma_start3A_28, %dma_start3A_32] : memref<32x125x80xi32, #tpu.memory_space<hbm>> -> memref<1x1x80xi32, #tpu.memory_space<hbm>>
    %dma_start3A_34 = tpu.memref_squeeze %dma_start3A_33 : memref<1x1x80xi32, #tpu.memory_space<hbm>> -> memref<80xi32, #tpu.memory_space<hbm>>
    tpu.enqueue_dma source(%dma_start3A_34 : memref<80xi32, #tpu.memory_space<hbm>>) target(%arg10 : memref<80xi32, #tpu.memory_space<vmem>>) target_semaphore(%arg27 : memref<!tpu.dma_semaphore, #tpu.memory_space<semaphore_mem>>)
    %dma_start3A_35 = arith.constant 1 : i32
    %dma_start3A_36 = arith.constant 0 : i32
    %dma_start3A_37 = tpu.memref_slice %arg4[%add3A, %dma_start3A_35, %dma_start3A_36] : memref<32x125x80xi32, #tpu.memory_space<hbm>> -> memref<1x1x80xi32, #tpu.memory_space<hbm>>
    %dma_start3A_38 = tpu.memref_squeeze %dma_start3A_37 : memref<1x1x80xi32, #tpu.memory_space<hbm>> -> memref<80xi32, #tpu.memory_space<hbm>>
    %dma_start3A_39 = arith.constant 0 : i32
    %dma_start3A_40 = tpu.memref_slice %arg4[%add3A, %dma_start3A_35, %dma_start3A_39] : memref<32x125x80xi32, #tpu.memory_space<hbm>> -> memref<1x1x80xi32, #tpu.memory_space<hbm>>
    %dma_start3A_41 = tpu.memref_squeeze %dma_start3A_40 : memref<1x1x80xi32, #tpu.memory_space<hbm>> -> memref<80xi32, #tpu.memory_space<hbm>>
    tpu.enqueue_dma source(%dma_start3A_41 : memref<80xi32, #tpu.memory_space<hbm>>) target(%arg11 : memref<80xi32, #tpu.memory_space<vmem>>) target_semaphore(%arg28 : memref<!tpu.dma_semaphore, #tpu.memory_space<semaphore_mem>>)
    %broadcast_in_dim3A = arith.constant 0.000000e+00 : f32
    %broadcast_in_dim3A_42 = vector.broadcast %broadcast_in_dim3A : f32 to vector<16xf32>
    %scan3A = arith.constant 0 : i32
    %scan3A_43 = arith.constant 0 : i32
    %scan3A_44 = arith.constant 640 : i32
    %scan3A_45 = arith.addi %scan3A_43, %scan3A_44 : i32
    %scan3A_46 = arith.constant 1 : i32
    scf.for %scan3A_140 = %scan3A_43 to %scan3A_45 step %scan3A_46  : i32 {
      %jit3A = arith.constant 8 : i32
      %div3A = arith.divsi %scan3A_140, %jit3A : i32
      %sign3A = arith.constant 0 : i32
      %sign3A_141 = arith.cmpi sgt, %scan3A_140, %sign3A : i32
      %sign3A_142 = arith.extui %sign3A_141 : i1 to i32
      %sign3A_143 = arith.constant 0 : i32
      %sign3A_144 = arith.cmpi slt, %scan3A_140, %sign3A_143 : i32
      %sign3A_145 = arith.extui %sign3A_144 : i1 to i32
      %sign3A_146 = arith.subi %sign3A_142, %sign3A_145 : i32
      %sign3A_147 = arith.constant 0 : i32
      %sign3A_148 = arith.cmpi sgt, %jit3A, %sign3A_147 : i32
      %sign3A_149 = arith.extui %sign3A_148 : i1 to i32
      %sign3A_150 = arith.constant 0 : i32
      %sign3A_151 = arith.cmpi slt, %jit3A, %sign3A_150 : i32
      %sign3A_152 = arith.extui %sign3A_151 : i1 to i32
      %sign3A_153 = arith.subi %sign3A_149, %sign3A_152 : i32
      %ne3A = arith.cmpi ne, %sign3A_146, %sign3A_153 : i32
      %rem3A = arith.remsi %scan3A_140, %jit3A : i32
      %ne3A_154 = arith.constant 0 : i32
      %ne3A_155 = arith.cmpi ne, %rem3A, %ne3A_154 : i32
      %and3A = arith.andi %ne3A, %ne3A_155 : i1
      %sub3A = arith.constant 1 : i32
      %sub3A_156 = arith.subi %div3A, %sub3A : i32
      %select_n3A = arith.select %and3A, %sub3A_156, %div3A : i32
      %jit3A_157 = arith.constant 8 : i32
      %eq3A = arith.constant 0 : i32
      %eq3A_158 = arith.cmpi eq, %jit3A_157, %eq3A : i32
      %jit3A_159 = arith.constant 1 : i32
      %select_n3A_160 = arith.select %eq3A_158, %jit3A_159, %jit3A_157 : i32
      %rem3A_161 = arith.remsi %scan3A_140, %select_n3A_160 : i32
      %ne3A_162 = arith.constant 0 : i32
      %ne3A_163 = arith.cmpi ne, %rem3A_161, %ne3A_162 : i32
      %lt3A_164 = arith.constant 0 : i32
      %lt3A_165 = arith.cmpi slt, %rem3A_161, %lt3A_164 : i32
      %lt3A_166 = arith.constant 0 : i32
      %lt3A_167 = arith.cmpi slt, %select_n3A_160, %lt3A_166 : i32
      %ne3A_168 = arith.xori %lt3A_165, %lt3A_167 : i1
      %and3A_169 = arith.andi %ne3A_168, %ne3A_163 : i1
      %add3A_170 = arith.addi %rem3A_161, %select_n3A_160 : i32
      %select_n3A_171 = arith.select %and3A_169, %add3A_170, %rem3A_161 : i32
      %mul3A_172 = arith.constant 16 : i32
      %mul3A_173 = arith.muli %select_n3A_171, %mul3A_172 : i32
      %swap3A = arith.index_cast %select_n3A : i32 to index
      %swap3A_174 = arith.index_cast %mul3A_173 : i32 to index
      %swap3A_175 = tpu.vector_load %arg17[%swap3A, %swap3A_174] {strides = array<i32>} : memref<80x128xf32, #tpu.memory_space<vmem>>, vector<1x16xf32>,
      %swap3A_176 = vector.shape_cast %swap3A_175 : vector<1x16xf32> to vector<16xf32>
      %swap3A_177 = vector.shape_cast %broadcast_in_dim3A_42 : vector<16xf32> to vector<1x16xf32>
      tpu.vector_store %arg17[%swap3A, %swap3A_174], %swap3A_177 {strides = array<i32>} : memref<80x128xf32, #tpu.memory_space<vmem>>, vector<1x16xf32>,
    }
    %scan3A_47 = arith.constant 640 : i32
    %scan3A_48 = arith.constant 0 : i32
    %scan3A_49 = arith.constant 0 : i32
    %scan3A_50 = arith.constant 10 : i32
    %scan3A_51 = arith.addi %scan3A_49, %scan3A_50 : i32
    %scan3A_52 = arith.constant 1 : i32
    scf.for %scan3A_140 = %scan3A_49 to %scan3A_51 step %scan3A_52  : i32 {
      %mul3A_141 = arith.constant 10 : i32
      %mul3A_142 = arith.muli %arg1, %mul3A_141 : i32
      %add3A_143 = arith.addi %mul3A_142, %scan3A_140 : i32
      %mul3A_144 = arith.constant 64 : i32
      %mul3A_145 = arith.muli %add3A_143, %mul3A_144 : i32
      "tpu.region"() ({
        %run_scoped3A = tpu.sem_alloc : memref<!tpu.dma_semaphore, #tpu.memory_space<semaphore_mem>>
        %dma_start3A_146 = arith.constant 0 : i32
        %dma_start3A_147 = arith.constant 0 : i32
        %dma_start3A_148 = tpu.memref_slice %arg17[%dma_start3A_146, %dma_start3A_147] : memref<80x128xf32, #tpu.memory_space<vmem>> -> memref<64x128xf32, #tpu.memory_space<vmem>>
        %dma_start3A_149 = arith.constant 0 : i32
        %dma_start3A_150 = tpu.memref_slice %arg18[%mul3A_145, %dma_start3A_149] : memref<10240x128xf32, #tpu.memory_space<vmem_shared>> -> memref<64x128xf32, #tpu.memory_space<vmem_shared>>
        %dma_start3A_151 = arith.constant 0 : i32
        %dma_start3A_152 = tpu.memref_slice %arg18[%mul3A_145, %dma_start3A_151] : memref<10240x128xf32, #tpu.memory_space<vmem_shared>> -> memref<64x128xf32, #tpu.memory_space<vmem_shared>>
        %dma_start3A_153 = arith.constant 0 : i32
        %dma_start3A_154 = arith.constant 0 : i32
        %dma_start3A_155 = tpu.memref_slice %arg17[%dma_start3A_153, %dma_start3A_154] : memref<80x128xf32, #tpu.memory_space<vmem>> -> memref<64x128xf32, #tpu.memory_space<vmem>>
        tpu.enqueue_dma source(%dma_start3A_155 : memref<64x128xf32, #tpu.memory_space<vmem>>) target(%dma_start3A_152 : memref<64x128xf32, #tpu.memory_space<vmem_shared>>) target_semaphore(%run_scoped3A : memref<!tpu.dma_semaphore, #tpu.memory_space<semaphore_mem>>)
        %dma_wait3A_156 = arith.constant 0 : i32
        %dma_wait3A_157 = arith.constant 0 : i32
        %dma_wait3A_158 = tpu.memref_slice %arg17[%dma_wait3A_156, %dma_wait3A_157] : memref<80x128xf32, #tpu.memory_space<vmem>> -> memref<64x128xf32, #tpu.memory_space<vmem>>
        %dma_wait3A_159 = arith.constant 0 : i32
        %dma_wait3A_160 = tpu.memref_slice %arg18[%mul3A_145, %dma_wait3A_159] : memref<10240x128xf32, #tpu.memory_space<vmem_shared>> -> memref<64x128xf32, #tpu.memory_space<vmem_shared>>
        %dma_wait3A_161 = arith.constant 0 : i32
        %dma_wait3A_162 = tpu.memref_slice %arg18[%mul3A_145, %dma_wait3A_161] : memref<10240x128xf32, #tpu.memory_space<vmem_shared>> -> memref<64x128xf32, #tpu.memory_space<vmem_shared>>
        %dma_wait3A_163 = arith.constant 0 : i32
        %dma_wait3A_164 = arith.constant 0 : i32
        %dma_wait3A_165 = tpu.memref_slice %arg17[%dma_wait3A_163, %dma_wait3A_164] : memref<80x128xf32, #tpu.memory_space<vmem>> -> memref<64x128xf32, #tpu.memory_space<vmem>>
        tpu.wait_dma2 semaphore(%run_scoped3A : memref<!tpu.dma_semaphore, #tpu.memory_space<semaphore_mem>>) src(%dma_wait3A_165 : memref<64x128xf32, #tpu.memory_space<vmem>>) dst(%dma_wait3A_162 : memref<64x128xf32, #tpu.memory_space<vmem_shared>>)
        tpu.yield
      }) : () -> ()
    }
    %scan3A_53 = arith.constant 10 : i32
    %dma_wait3A = arith.constant 0 : i32
    %dma_wait3A_54 = arith.constant 0 : i32
    %dma_wait3A_55 = tpu.memref_slice %arg3[%add3A, %dma_wait3A, %dma_wait3A_54] : memref<32x125x80xi32, #tpu.memory_space<hbm>> -> memref<1x1x80xi32, #tpu.memory_space<hbm>>
    %dma_wait3A_56 = tpu.memref_squeeze %dma_wait3A_55 : memref<1x1x80xi32, #tpu.memory_space<hbm>> -> memref<80xi32, #tpu.memory_space<hbm>>
    %dma_wait3A_57 = arith.constant 0 : i32
    %dma_wait3A_58 = tpu.memref_slice %arg3[%add3A, %dma_wait3A, %dma_wait3A_57] : memref<32x125x80xi32, #tpu.memory_space<hbm>> -> memref<1x1x80xi32, #tpu.memory_space<hbm>>
    %dma_wait3A_59 = tpu.memref_squeeze %dma_wait3A_58 : memref<1x1x80xi32, #tpu.memory_space<hbm>> -> memref<80xi32, #tpu.memory_space<hbm>>
    tpu.wait_dma2 semaphore(%arg23 : memref<!tpu.dma_semaphore, #tpu.memory_space<semaphore_mem>>) src(%dma_wait3A_59 : memref<80xi32, #tpu.memory_space<hbm>>) dst(%arg6 : memref<80xi32, #tpu.memory_space<vmem>>)
    %dma_start3A_60 = arith.constant 0 : i32
    %dma_start3A_61 = arith.constant 0 : i32
    %dma_start3A_62 = tpu.memref_slice %arg2[%dma_start3A_60, %dma_start3A_61] : memref<10000x128xf32, #tpu.memory_space<hbm>> -> memref<10000x128xf32, #tpu.memory_space<hbm>>
    tpu.enqueue_indirect_dma source(%dma_start3A_62 : memref<10000x128xf32, #tpu.memory_space<hbm>>) target(%arg14 : memref<80x128xf32, #tpu.memory_space<vmem>>) offsets(%arg6 : memref<80xi32, #tpu.memory_space<vmem>>) semaphore(%arg19 : memref<!tpu.dma_semaphore, #tpu.memory_space<semaphore_mem>>)
    %dma_wait3A_63 = arith.constant 0 : i32
    %dma_wait3A_64 = arith.constant 0 : i32
    %dma_wait3A_65 = tpu.memref_slice %arg3[%add3A, %dma_wait3A_63, %dma_wait3A_64] : memref<32x125x80xi32, #tpu.memory_space<hbm>> -> memref<1x1x80xi32, #tpu.memory_space<hbm>>
    %dma_wait3A_66 = tpu.memref_squeeze %dma_wait3A_65 : memref<1x1x80xi32, #tpu.memory_space<hbm>> -> memref<80xi32, #tpu.memory_space<hbm>>
    %dma_wait3A_67 = arith.constant 0 : i32
    %dma_wait3A_68 = tpu.memref_slice %arg3[%add3A, %dma_wait3A_63, %dma_wait3A_67] : memref<32x125x80xi32, #tpu.memory_space<hbm>> -> memref<1x1x80xi32, #tpu.memory_space<hbm>>
    %dma_wait3A_69 = tpu.memref_squeeze %dma_wait3A_68 : memref<1x1x80xi32, #tpu.memory_space<hbm>> -> memref<80xi32, #tpu.memory_space<hbm>>
    tpu.wait_dma2 semaphore(%arg24 : memref<!tpu.dma_semaphore, #tpu.memory_space<semaphore_mem>>) src(%dma_wait3A_69 : memref<80xi32, #tpu.memory_space<hbm>>) dst(%arg7 : memref<80xi32, #tpu.memory_space<vmem>>)
    %dma_start3A_70 = arith.constant 0 : i32
    %dma_start3A_71 = arith.constant 0 : i32
    %dma_start3A_72 = tpu.memref_slice %arg2[%dma_start3A_70, %dma_start3A_71] : memref<10000x128xf32, #tpu.memory_space<hbm>> -> memref<10000x128xf32, #tpu.memory_space<hbm>>
    tpu.enqueue_indirect_dma source(%dma_start3A_72 : memref<10000x128xf32, #tpu.memory_space<hbm>>) target(%arg15 : memref<80x128xf32, #tpu.memory_space<vmem>>) offsets(%arg7 : memref<80xi32, #tpu.memory_space<vmem>>) semaphore(%arg20 : memref<!tpu.dma_semaphore, #tpu.memory_space<semaphore_mem>>)
    %dma_wait3A_73 = arith.constant 0 : i32
    %dma_wait3A_74 = arith.constant 0 : i32
    %dma_wait3A_75 = tpu.memref_slice %arg3[%add3A, %dma_wait3A_73, %dma_wait3A_74] : memref<32x125x80xi32, #tpu.memory_space<hbm>> -> memref<1x1x80xi32, #tpu.memory_space<hbm>>
    %dma_wait3A_76 = tpu.memref_squeeze %dma_wait3A_75 : memref<1x1x80xi32, #tpu.memory_space<hbm>> -> memref<80xi32, #tpu.memory_space<hbm>>
    %dma_wait3A_77 = arith.constant 0 : i32
    %dma_wait3A_78 = tpu.memref_slice %arg3[%add3A, %dma_wait3A_73, %dma_wait3A_77] : memref<32x125x80xi32, #tpu.memory_space<hbm>> -> memref<1x1x80xi32, #tpu.memory_space<hbm>>
    %dma_wait3A_79 = tpu.memref_squeeze %dma_wait3A_78 : memref<1x1x80xi32, #tpu.memory_space<hbm>> -> memref<80xi32, #tpu.memory_space<hbm>>
    tpu.wait_dma2 semaphore(%arg25 : memref<!tpu.dma_semaphore, #tpu.memory_space<semaphore_mem>>) src(%dma_wait3A_79 : memref<80xi32, #tpu.memory_space<hbm>>) dst(%arg8 : memref<80xi32, #tpu.memory_space<vmem>>)
    %dma_start3A_80 = arith.constant 0 : i32
    %dma_start3A_81 = arith.constant 0 : i32
    %dma_start3A_82 = tpu.memref_slice %arg2[%dma_start3A_80, %dma_start3A_81] : memref<10000x128xf32, #tpu.memory_space<hbm>> -> memref<10000x128xf32, #tpu.memory_space<hbm>>
    tpu.enqueue_indirect_dma source(%dma_start3A_82 : memref<10000x128xf32, #tpu.memory_space<hbm>>) target(%arg16 : memref<80x128xf32, #tpu.memory_space<vmem>>) offsets(%arg8 : memref<80xi32, #tpu.memory_space<vmem>>) semaphore(%arg21 : memref<!tpu.dma_semaphore, #tpu.memory_space<semaphore_mem>>)
    %barrier3A = arith.constant 0 : index
    tpu.barrier barrier_id(%barrier3A)
    %scan3A_83 = arith.constant 0 : i32
    %scan3A_84 = arith.constant 0 : i32
    %scan3A_85 = arith.constant 31 : i32
    %scan3A_86 = arith.addi %scan3A_84, %scan3A_85 : i32
    %scan3A_87 = arith.constant 1 : i32
    scf.for %scan3A_140 = %scan3A_84 to %scan3A_86 step %scan3A_87  : i32 {
      %mul3A_141 = arith.constant 4 : i32
      %mul3A_142 = arith.muli %scan3A_140, %mul3A_141 : i32
      %add3A_143 = arith.constant 0 : i32
      %add3A_144 = arith.addi %mul3A_142, %add3A_143 : i32
      %dma_wait3A_145 = arith.constant 0 : i32
      %dma_wait3A_146 = arith.constant 0 : i32
      %dma_wait3A_147 = tpu.memref_slice %arg2[%dma_wait3A_145, %dma_wait3A_146] : memref<10000x128xf32, #tpu.memory_space<hbm>> -> memref<10000x128xf32, #tpu.memory_space<hbm>>
      tpu.wait_indirect_dma semaphore(%arg19 : memref<!tpu.dma_semaphore, #tpu.memory_space<semaphore_mem>>) src(%dma_wait3A_147 : memref<10000x128xf32, #tpu.memory_space<hbm>>) dst(%arg14 : memref<80x128xf32, #tpu.memory_space<vmem>>)
      %ge3A_148 = arith.constant 1 : i32
      %ge3A_149 = arith.cmpi sge, %add3A_144, %ge3A_148 : i32
      %convert_element_type3A_150 = arith.extui %ge3A_149 : i1 to i32
      %cond3A_151 = arith.constant 0 : i32
      %cond3A_152 = arith.cmpi ne, %convert_element_type3A_150, %cond3A_151 : i32
      scf.if %cond3A_152 {
        %dma_wait3A_307 = arith.constant 0 : i32
        %dma_wait3A_308 = arith.constant 0 : i32
        %dma_wait3A_309 = tpu.memref_slice %arg18[%dma_wait3A_307, %dma_wait3A_308] : memref<10240x128xf32, #tpu.memory_space<vmem_shared>> -> memref<10240x128xf32, #tpu.memory_space<vmem_shared>>
        tpu.wait_indirect_dma semaphore(%arg34 : memref<!tpu.dma_semaphore, #tpu.memory_space<semaphore_mem>>) src(%arg17 : memref<80x128xf32, #tpu.memory_space<vmem>>) dst(%dma_wait3A_309 : memref<10240x128xf32, #tpu.memory_space<vmem_shared>>)
      } else {
      }
      %add3A_153 = arith.constant 3 : i32
      %add3A_154 = arith.addi %add3A_144, %add3A_153 : i32
      %lt3A_155 = arith.constant 125 : i32
      %lt3A_156 = arith.cmpi slt, %add3A_154, %lt3A_155 : i32
      %convert_element_type3A_157 = arith.extui %lt3A_156 : i1 to i32
      %cond3A_158 = arith.constant 0 : i32
      %cond3A_159 = arith.cmpi ne, %convert_element_type3A_157, %cond3A_158 : i32
      scf.if %cond3A_159 {
        %dma_wait3A_307 = arith.constant 0 : i32
        %dma_wait3A_308 = arith.constant 0 : i32
        %dma_wait3A_309 = tpu.memref_slice %arg3[%add3A, %dma_wait3A_307, %dma_wait3A_308] : memref<32x125x80xi32, #tpu.memory_space<hbm>> -> memref<1x1x80xi32, #tpu.memory_space<hbm>>
        %dma_wait3A_310 = tpu.memref_squeeze %dma_wait3A_309 : memref<1x1x80xi32, #tpu.memory_space<hbm>> -> memref<80xi32, #tpu.memory_space<hbm>>
        %dma_wait3A_311 = arith.constant 0 : i32
        %dma_wait3A_312 = tpu.memref_slice %arg3[%add3A, %dma_wait3A_307, %dma_wait3A_311] : memref<32x125x80xi32, #tpu.memory_space<hbm>> -> memref<1x1x80xi32, #tpu.memory_space<hbm>>
        %dma_wait3A_313 = tpu.memref_squeeze %dma_wait3A_312 : memref<1x1x80xi32, #tpu.memory_space<hbm>> -> memref<80xi32, #tpu.memory_space<hbm>>
        tpu.wait_dma2 semaphore(%arg26 : memref<!tpu.dma_semaphore, #tpu.memory_space<semaphore_mem>>) src(%dma_wait3A_313 : memref<80xi32, #tpu.memory_space<hbm>>) dst(%arg9 : memref<80xi32, #tpu.memory_space<vmem>>)
        %dma_start3A_314 = arith.constant 0 : i32
        %dma_start3A_315 = arith.constant 0 : i32
        %dma_start3A_316 = tpu.memref_slice %arg2[%dma_start3A_314, %dma_start3A_315] : memref<10000x128xf32, #tpu.memory_space<hbm>> -> memref<10000x128xf32, #tpu.memory_space<hbm>>
        tpu.enqueue_indirect_dma source(%dma_start3A_316 : memref<10000x128xf32, #tpu.memory_space<hbm>>) target(%arg17 : memref<80x128xf32, #tpu.memory_space<vmem>>) offsets(%arg9 : memref<80xi32, #tpu.memory_space<vmem>>) semaphore(%arg22 : memref<!tpu.dma_semaphore, #tpu.memory_space<semaphore_mem>>)
      } else {
      }
      %dma_wait3A_160 = arith.constant 0 : i32
      %dma_wait3A_161 = arith.constant 0 : i32
      %dma_wait3A_162 = tpu.memref_slice %arg4[%add3A, %dma_wait3A_160, %dma_wait3A_161] : memref<32x125x80xi32, #tpu.memory_space<hbm>> -> memref<1x1x80xi32, #tpu.memory_space<hbm>>
      %dma_wait3A_163 = tpu.memref_squeeze %dma_wait3A_162 : memref<1x1x80xi32, #tpu.memory_space<hbm>> -> memref<80xi32, #tpu.memory_space<hbm>>
      %dma_wait3A_164 = arith.constant 0 : i32
      %dma_wait3A_165 = tpu.memref_slice %arg4[%add3A, %dma_wait3A_160, %dma_wait3A_164] : memref<32x125x80xi32, #tpu.memory_space<hbm>> -> memref<1x1x80xi32, #tpu.memory_space<hbm>>
      %dma_wait3A_166 = tpu.memref_squeeze %dma_wait3A_165 : memref<1x1x80xi32, #tpu.memory_space<hbm>> -> memref<80xi32, #tpu.memory_space<hbm>>
      tpu.wait_dma2 semaphore(%arg27 : memref<!tpu.dma_semaphore, #tpu.memory_space<semaphore_mem>>) src(%dma_wait3A_166 : memref<80xi32, #tpu.memory_space<hbm>>) dst(%arg10 : memref<80xi32, #tpu.memory_space<vmem>>)
      %dma_start3A_167 = arith.constant 0 : i32
      %dma_start3A_168 = arith.constant 0 : i32
      %dma_start3A_169 = tpu.memref_slice %arg18[%dma_start3A_167, %dma_start3A_168] : memref<10240x128xf32, #tpu.memory_space<vmem_shared>> -> memref<10240x128xf32, #tpu.memory_space<vmem_shared>>
      tpu.enqueue_indirect_dma source(%arg14 : memref<80x128xf32, #tpu.memory_space<vmem>>) target(%dma_start3A_169 : memref<10240x128xf32, #tpu.memory_space<vmem_shared>>) offsets(%arg10 : memref<80xi32, #tpu.memory_space<vmem>>) semaphore(%arg31 : memref<!tpu.dma_semaphore, #tpu.memory_space<semaphore_mem>>) {add = true}
      %add3A_170 = arith.constant 4 : i32
      %add3A_171 = arith.addi %add3A_144, %add3A_170 : i32
      %lt3A_172 = arith.constant 125 : i32
      %lt3A_173 = arith.cmpi slt, %add3A_171, %lt3A_172 : i32
      %convert_element_type3A_174 = arith.extui %lt3A_173 : i1 to i32
      %cond3A_175 = arith.constant 0 : i32
      %cond3A_176 = arith.cmpi ne, %convert_element_type3A_174, %cond3A_175 : i32
      scf.if %cond3A_176 {
        %add3A_307 = arith.constant 4 : i32
        %add3A_308 = arith.addi %add3A_144, %add3A_307 : i32
        %dma_start3A_309 = arith.constant 0 : i32
        %dma_start3A_310 = tpu.memref_slice %arg3[%add3A, %add3A_308, %dma_start3A_309] : memref<32x125x80xi32, #tpu.memory_space<hbm>> -> memref<1x1x80xi32, #tpu.memory_space<hbm>>
        %dma_start3A_311 = tpu.memref_squeeze %dma_start3A_310 : memref<1x1x80xi32, #tpu.memory_space<hbm>> -> memref<80xi32, #tpu.memory_space<hbm>>
        %dma_start3A_312 = arith.constant 0 : i32
        %dma_start3A_313 = tpu.memref_slice %arg3[%add3A, %add3A_308, %dma_start3A_312] : memref<32x125x80xi32, #tpu.memory_space<hbm>> -> memref<1x1x80xi32, #tpu.memory_space<hbm>>
        %dma_start3A_314 = tpu.memref_squeeze %dma_start3A_313 : memref<1x1x80xi32, #tpu.memory_space<hbm>> -> memref<80xi32, #tpu.memory_space<hbm>>
        tpu.enqueue_dma source(%dma_start3A_314 : memref<80xi32, #tpu.memory_space<hbm>>) target(%arg6 : memref<80xi32, #tpu.memory_space<vmem>>) target_semaphore(%arg23 : memref<!tpu.dma_semaphore, #tpu.memory_space<semaphore_mem>>)
      } else {
      }
      %add3A_177 = arith.constant 2 : i32
      %add3A_178 = arith.addi %add3A_144, %add3A_177 : i32
      %lt3A_179 = arith.constant 125 : i32
      %lt3A_180 = arith.cmpi slt, %add3A_178, %lt3A_179 : i32
      %convert_element_type3A_181 = arith.extui %lt3A_180 : i1 to i32
      %cond3A_182 = arith.constant 0 : i32
      %cond3A_183 = arith.cmpi ne, %convert_element_type3A_181, %cond3A_182 : i32
      scf.if %cond3A_183 {
        %add3A_307 = arith.constant 2 : i32
        %add3A_308 = arith.addi %add3A_144, %add3A_307 : i32
        %dma_start3A_309 = arith.constant 0 : i32
        %dma_start3A_310 = tpu.memref_slice %arg4[%add3A, %add3A_308, %dma_start3A_309] : memref<32x125x80xi32, #tpu.memory_space<hbm>> -> memref<1x1x80xi32, #tpu.memory_space<hbm>>
        %dma_start3A_311 = tpu.memref_squeeze %dma_start3A_310 : memref<1x1x80xi32, #tpu.memory_space<hbm>> -> memref<80xi32, #tpu.memory_space<hbm>>
        %dma_start3A_312 = arith.constant 0 : i32
        %dma_start3A_313 = tpu.memref_slice %arg4[%add3A, %add3A_308, %dma_start3A_312] : memref<32x125x80xi32, #tpu.memory_space<hbm>> -> memref<1x1x80xi32, #tpu.memory_space<hbm>>
        %dma_start3A_314 = tpu.memref_squeeze %dma_start3A_313 : memref<1x1x80xi32, #tpu.memory_space<hbm>> -> memref<80xi32, #tpu.memory_space<hbm>>
        tpu.enqueue_dma source(%dma_start3A_314 : memref<80xi32, #tpu.memory_space<hbm>>) target(%arg12 : memref<80xi32, #tpu.memory_space<vmem>>) target_semaphore(%arg29 : memref<!tpu.dma_semaphore, #tpu.memory_space<semaphore_mem>>)
      } else {
      }
      %add3A_184 = arith.constant 1 : i32
      %add3A_185 = arith.addi %mul3A_142, %add3A_184 : i32
      %dma_wait3A_186 = arith.constant 0 : i32
      %dma_wait3A_187 = arith.constant 0 : i32
      %dma_wait3A_188 = tpu.memref_slice %arg2[%dma_wait3A_186, %dma_wait3A_187] : memref<10000x128xf32, #tpu.memory_space<hbm>> -> memref<10000x128xf32, #tpu.memory_space<hbm>>
      tpu.wait_indirect_dma semaphore(%arg20 : memref<!tpu.dma_semaphore, #tpu.memory_space<semaphore_mem>>) src(%dma_wait3A_188 : memref<10000x128xf32, #tpu.memory_space<hbm>>) dst(%arg15 : memref<80x128xf32, #tpu.memory_space<vmem>>)
      %ge3A_189 = arith.constant 1 : i32
      %ge3A_190 = arith.cmpi sge, %add3A_185, %ge3A_189 : i32
      %convert_element_type3A_191 = arith.extui %ge3A_190 : i1 to i32
      %cond3A_192 = arith.constant 0 : i32
      %cond3A_193 = arith.cmpi ne, %convert_element_type3A_191, %cond3A_192 : i32
      scf.if %cond3A_193 {
        %dma_wait3A_307 = arith.constant 0 : i32
        %dma_wait3A_308 = arith.constant 0 : i32
        %dma_wait3A_309 = tpu.memref_slice %arg18[%dma_wait3A_307, %dma_wait3A_308] : memref<10240x128xf32, #tpu.memory_space<vmem_shared>> -> memref<10240x128xf32, #tpu.memory_space<vmem_shared>>
        tpu.wait_indirect_dma semaphore(%arg31 : memref<!tpu.dma_semaphore, #tpu.memory_space<semaphore_mem>>) src(%arg14 : memref<80x128xf32, #tpu.memory_space<vmem>>) dst(%dma_wait3A_309 : memref<10240x128xf32, #tpu.memory_space<vmem_shared>>)
      } else {
      }
      %add3A_194 = arith.constant 3 : i32
      %add3A_195 = arith.addi %add3A_185, %add3A_194 : i32
      %lt3A_196 = arith.constant 125 : i32
      %lt3A_197 = arith.cmpi slt, %add3A_195, %lt3A_196 : i32
      %convert_element_type3A_198 = arith.extui %lt3A_197 : i1 to i32
      %cond3A_199 = arith.constant 0 : i32
      %cond3A_200 = arith.cmpi ne, %convert_element_type3A_198, %cond3A_199 : i32
      scf.if %cond3A_200 {
        %dma_wait3A_307 = arith.constant 0 : i32
        %dma_wait3A_308 = arith.constant 0 : i32
        %dma_wait3A_309 = tpu.memref_slice %arg3[%add3A, %dma_wait3A_307, %dma_wait3A_308] : memref<32x125x80xi32, #tpu.memory_space<hbm>> -> memref<1x1x80xi32, #tpu.memory_space<hbm>>
        %dma_wait3A_310 = tpu.memref_squeeze %dma_wait3A_309 : memref<1x1x80xi32, #tpu.memory_space<hbm>> -> memref<80xi32, #tpu.memory_space<hbm>>
        %dma_wait3A_311 = arith.constant 0 : i32
        %dma_wait3A_312 = tpu.memref_slice %arg3[%add3A, %dma_wait3A_307, %dma_wait3A_311] : memref<32x125x80xi32, #tpu.memory_space<hbm>> -> memref<1x1x80xi32, #tpu.memory_space<hbm>>
        %dma_wait3A_313 = tpu.memref_squeeze %dma_wait3A_312 : memref<1x1x80xi32, #tpu.memory_space<hbm>> -> memref<80xi32, #tpu.memory_space<hbm>>
        tpu.wait_dma2 semaphore(%arg23 : memref<!tpu.dma_semaphore, #tpu.memory_space<semaphore_mem>>) src(%dma_wait3A_313 : memref<80xi32, #tpu.memory_space<hbm>>) dst(%arg6 : memref<80xi32, #tpu.memory_space<vmem>>)
        %dma_start3A_314 = arith.constant 0 : i32
        %dma_start3A_315 = arith.constant 0 : i32
        %dma_start3A_316 = tpu.memref_slice %arg2[%dma_start3A_314, %dma_start3A_315] : memref<10000x128xf32, #tpu.memory_space<hbm>> -> memref<10000x128xf32, #tpu.memory_space<hbm>>
        tpu.enqueue_indirect_dma source(%dma_start3A_316 : memref<10000x128xf32, #tpu.memory_space<hbm>>) target(%arg14 : memref<80x128xf32, #tpu.memory_space<vmem>>) offsets(%arg6 : memref<80xi32, #tpu.memory_space<vmem>>) semaphore(%arg19 : memref<!tpu.dma_semaphore, #tpu.memory_space<semaphore_mem>>)
      } else {
      }
      %dma_wait3A_201 = arith.constant 0 : i32
      %dma_wait3A_202 = arith.constant 0 : i32
      %dma_wait3A_203 = tpu.memref_slice %arg4[%add3A, %dma_wait3A_201, %dma_wait3A_202] : memref<32x125x80xi32, #tpu.memory_space<hbm>> -> memref<1x1x80xi32, #tpu.memory_space<hbm>>
      %dma_wait3A_204 = tpu.memref_squeeze %dma_wait3A_203 : memref<1x1x80xi32, #tpu.memory_space<hbm>> -> memref<80xi32, #tpu.memory_space<hbm>>
      %dma_wait3A_205 = arith.constant 0 : i32
      %dma_wait3A_206 = tpu.memref_slice %arg4[%add3A, %dma_wait3A_201, %dma_wait3A_205] : memref<32x125x80xi32, #tpu.memory_space<hbm>> -> memref<1x1x80xi32, #tpu.memory_space<hbm>>
      %dma_wait3A_207 = tpu.memref_squeeze %dma_wait3A_206 : memref<1x1x80xi32, #tpu.memory_space<hbm>> -> memref<80xi32, #tpu.memory_space<hbm>>
      tpu.wait_dma2 semaphore(%arg28 : memref<!tpu.dma_semaphore, #tpu.memory_space<semaphore_mem>>) src(%dma_wait3A_207 : memref<80xi32, #tpu.memory_space<hbm>>) dst(%arg11 : memref<80xi32, #tpu.memory_space<vmem>>)
      %dma_start3A_208 = arith.constant 0 : i32
      %dma_start3A_209 = arith.constant 0 : i32
      %dma_start3A_210 = tpu.memref_slice %arg18[%dma_start3A_208, %dma_start3A_209] : memref<10240x128xf32, #tpu.memory_space<vmem_shared>> -> memref<10240x128xf32, #tpu.memory_space<vmem_shared>>
      tpu.enqueue_indirect_dma source(%arg15 : memref<80x128xf32, #tpu.memory_space<vmem>>) target(%dma_start3A_210 : memref<10240x128xf32, #tpu.memory_space<vmem_shared>>) offsets(%arg11 : memref<80xi32, #tpu.memory_space<vmem>>) semaphore(%arg32 : memref<!tpu.dma_semaphore, #tpu.memory_space<semaphore_mem>>) {add = true}
      %add3A_211 = arith.constant 4 : i32
      %add3A_212 = arith.addi %add3A_185, %add3A_211 : i32
      %lt3A_213 = arith.constant 125 : i32
      %lt3A_214 = arith.cmpi slt, %add3A_212, %lt3A_213 : i32
      %convert_element_type3A_215 = arith.extui %lt3A_214 : i1 to i32
      %cond3A_216 = arith.constant 0 : i32
      %cond3A_217 = arith.cmpi ne, %convert_element_type3A_215, %cond3A_216 : i32
      scf.if %cond3A_217 {
        %add3A_307 = arith.constant 4 : i32
        %add3A_308 = arith.addi %add3A_185, %add3A_307 : i32
        %dma_start3A_309 = arith.constant 0 : i32
        %dma_start3A_310 = tpu.memref_slice %arg3[%add3A, %add3A_308, %dma_start3A_309] : memref<32x125x80xi32, #tpu.memory_space<hbm>> -> memref<1x1x80xi32, #tpu.memory_space<hbm>>
        %dma_start3A_311 = tpu.memref_squeeze %dma_start3A_310 : memref<1x1x80xi32, #tpu.memory_space<hbm>> -> memref<80xi32, #tpu.memory_space<hbm>>
        %dma_start3A_312 = arith.constant 0 : i32
        %dma_start3A_313 = tpu.memref_slice %arg3[%add3A, %add3A_308, %dma_start3A_312] : memref<32x125x80xi32, #tpu.memory_space<hbm>> -> memref<1x1x80xi32, #tpu.memory_space<hbm>>
        %dma_start3A_314 = tpu.memref_squeeze %dma_start3A_313 : memref<1x1x80xi32, #tpu.memory_space<hbm>> -> memref<80xi32, #tpu.memory_space<hbm>>
        tpu.enqueue_dma source(%dma_start3A_314 : memref<80xi32, #tpu.memory_space<hbm>>) target(%arg7 : memref<80xi32, #tpu.memory_space<vmem>>) target_semaphore(%arg24 : memref<!tpu.dma_semaphore, #tpu.memory_space<semaphore_mem>>)
      } else {
      }
      %add3A_218 = arith.constant 2 : i32
      %add3A_219 = arith.addi %add3A_185, %add3A_218 : i32
      %lt3A_220 = arith.constant 125 : i32
      %lt3A_221 = arith.cmpi slt, %add3A_219, %lt3A_220 : i32
      %convert_element_type3A_222 = arith.extui %lt3A_221 : i1 to i32
      %cond3A_223 = arith.constant 0 : i32
      %cond3A_224 = arith.cmpi ne, %convert_element_type3A_222, %cond3A_223 : i32
      scf.if %cond3A_224 {
        %add3A_307 = arith.constant 2 : i32
        %add3A_308 = arith.addi %add3A_185, %add3A_307 : i32
        %dma_start3A_309 = arith.constant 0 : i32
        %dma_start3A_310 = tpu.memref_slice %arg4[%add3A, %add3A_308, %dma_start3A_309] : memref<32x125x80xi32, #tpu.memory_space<hbm>> -> memref<1x1x80xi32, #tpu.memory_space<hbm>>
        %dma_start3A_311 = tpu.memref_squeeze %dma_start3A_310 : memref<1x1x80xi32, #tpu.memory_space<hbm>> -> memref<80xi32, #tpu.memory_space<hbm>>
        %dma_start3A_312 = arith.constant 0 : i32
        %dma_start3A_313 = tpu.memref_slice %arg4[%add3A, %add3A_308, %dma_start3A_312] : memref<32x125x80xi32, #tpu.memory_space<hbm>> -> memref<1x1x80xi32, #tpu.memory_space<hbm>>
        %dma_start3A_314 = tpu.memref_squeeze %dma_start3A_313 : memref<1x1x80xi32, #tpu.memory_space<hbm>> -> memref<80xi32, #tpu.memory_space<hbm>>
        tpu.enqueue_dma source(%dma_start3A_314 : memref<80xi32, #tpu.memory_space<hbm>>) target(%arg13 : memref<80xi32, #tpu.memory_space<vmem>>) target_semaphore(%arg30 : memref<!tpu.dma_semaphore, #tpu.memory_space<semaphore_mem>>)
      } else {
      }
      %add3A_225 = arith.constant 2 : i32
      %add3A_226 = arith.addi %mul3A_142, %add3A_225 : i32
      %dma_wait3A_227 = arith.constant 0 : i32
      %dma_wait3A_228 = arith.constant 0 : i32
      %dma_wait3A_229 = tpu.memref_slice %arg2[%dma_wait3A_227, %dma_wait3A_228] : memref<10000x128xf32, #tpu.memory_space<hbm>> -> memref<10000x128xf32, #tpu.memory_space<hbm>>
      tpu.wait_indirect_dma semaphore(%arg21 : memref<!tpu.dma_semaphore, #tpu.memory_space<semaphore_mem>>) src(%dma_wait3A_229 : memref<10000x128xf32, #tpu.memory_space<hbm>>) dst(%arg16 : memref<80x128xf32, #tpu.memory_space<vmem>>)
      %ge3A_230 = arith.constant 1 : i32
      %ge3A_231 = arith.cmpi sge, %add3A_226, %ge3A_230 : i32
      %convert_element_type3A_232 = arith.extui %ge3A_231 : i1 to i32
      %cond3A_233 = arith.constant 0 : i32
      %cond3A_234 = arith.cmpi ne, %convert_element_type3A_232, %cond3A_233 : i32
      scf.if %cond3A_234 {
        %dma_wait3A_307 = arith.constant 0 : i32
        %dma_wait3A_308 = arith.constant 0 : i32
        %dma_wait3A_309 = tpu.memref_slice %arg18[%dma_wait3A_307, %dma_wait3A_308] : memref<10240x128xf32, #tpu.memory_space<vmem_shared>> -> memref<10240x128xf32, #tpu.memory_space<vmem_shared>>
        tpu.wait_indirect_dma semaphore(%arg32 : memref<!tpu.dma_semaphore, #tpu.memory_space<semaphore_mem>>) src(%arg15 : memref<80x128xf32, #tpu.memory_space<vmem>>) dst(%dma_wait3A_309 : memref<10240x128xf32, #tpu.memory_space<vmem_shared>>)
      } else {
      }
      %add3A_235 = arith.constant 3 : i32
      %add3A_236 = arith.addi %add3A_226, %add3A_235 : i32
      %lt3A_237 = arith.constant 125 : i32
      %lt3A_238 = arith.cmpi slt, %add3A_236, %lt3A_237 : i32
      %convert_element_type3A_239 = arith.extui %lt3A_238 : i1 to i32
      %cond3A_240 = arith.constant 0 : i32
      %cond3A_241 = arith.cmpi ne, %convert_element_type3A_239, %cond3A_240 : i32
      scf.if %cond3A_241 {
        %dma_wait3A_307 = arith.constant 0 : i32
        %dma_wait3A_308 = arith.constant 0 : i32
        %dma_wait3A_309 = tpu.memref_slice %arg3[%add3A, %dma_wait3A_307, %dma_wait3A_308] : memref<32x125x80xi32, #tpu.memory_space<hbm>> -> memref<1x1x80xi32, #tpu.memory_space<hbm>>
        %dma_wait3A_310 = tpu.memref_squeeze %dma_wait3A_309 : memref<1x1x80xi32, #tpu.memory_space<hbm>> -> memref<80xi32, #tpu.memory_space<hbm>>
        %dma_wait3A_311 = arith.constant 0 : i32
        %dma_wait3A_312 = tpu.memref_slice %arg3[%add3A, %dma_wait3A_307, %dma_wait3A_311] : memref<32x125x80xi32, #tpu.memory_space<hbm>> -> memref<1x1x80xi32, #tpu.memory_space<hbm>>
        %dma_wait3A_313 = tpu.memref_squeeze %dma_wait3A_312 : memref<1x1x80xi32, #tpu.memory_space<hbm>> -> memref<80xi32, #tpu.memory_space<hbm>>
        tpu.wait_dma2 semaphore(%arg24 : memref<!tpu.dma_semaphore, #tpu.memory_space<semaphore_mem>>) src(%dma_wait3A_313 : memref<80xi32, #tpu.memory_space<hbm>>) dst(%arg7 : memref<80xi32, #tpu.memory_space<vmem>>)
        %dma_start3A_314 = arith.constant 0 : i32
        %dma_start3A_315 = arith.constant 0 : i32
        %dma_start3A_316 = tpu.memref_slice %arg2[%dma_start3A_314, %dma_start3A_315] : memref<10000x128xf32, #tpu.memory_space<hbm>> -> memref<10000x128xf32, #tpu.memory_space<hbm>>
        tpu.enqueue_indirect_dma source(%dma_start3A_316 : memref<10000x128xf32, #tpu.memory_space<hbm>>) target(%arg15 : memref<80x128xf32, #tpu.memory_space<vmem>>) offsets(%arg7 : memref<80xi32, #tpu.memory_space<vmem>>) semaphore(%arg20 : memref<!tpu.dma_semaphore, #tpu.memory_space<semaphore_mem>>)
      } else {
      }
      %dma_wait3A_242 = arith.constant 0 : i32
      %dma_wait3A_243 = arith.constant 0 : i32
      %dma_wait3A_244 = tpu.memref_slice %arg4[%add3A, %dma_wait3A_242, %dma_wait3A_243] : memref<32x125x80xi32, #tpu.memory_space<hbm>> -> memref<1x1x80xi32, #tpu.memory_space<hbm>>
      %dma_wait3A_245 = tpu.memref_squeeze %dma_wait3A_244 : memref<1x1x80xi32, #tpu.memory_space<hbm>> -> memref<80xi32, #tpu.memory_space<hbm>>
      %dma_wait3A_246 = arith.constant 0 : i32
      %dma_wait3A_247 = tpu.memref_slice %arg4[%add3A, %dma_wait3A_242, %dma_wait3A_246] : memref<32x125x80xi32, #tpu.memory_space<hbm>> -> memref<1x1x80xi32, #tpu.memory_space<hbm>>
      %dma_wait3A_248 = tpu.memref_squeeze %dma_wait3A_247 : memref<1x1x80xi32, #tpu.memory_space<hbm>> -> memref<80xi32, #tpu.memory_space<hbm>>
      tpu.wait_dma2 semaphore(%arg29 : memref<!tpu.dma_semaphore, #tpu.memory_space<semaphore_mem>>) src(%dma_wait3A_248 : memref<80xi32, #tpu.memory_space<hbm>>) dst(%arg12 : memref<80xi32, #tpu.memory_space<vmem>>)
      %dma_start3A_249 = arith.constant 0 : i32
      %dma_start3A_250 = arith.constant 0 : i32
      %dma_start3A_251 = tpu.memref_slice %arg18[%dma_start3A_249, %dma_start3A_250] : memref<10240x128xf32, #tpu.memory_space<vmem_shared>> -> memref<10240x128xf32, #tpu.memory_space<vmem_shared>>
      tpu.enqueue_indirect_dma source(%arg16 : memref<80x128xf32, #tpu.memory_space<vmem>>) target(%dma_start3A_251 : memref<10240x128xf32, #tpu.memory_space<vmem_shared>>) offsets(%arg12 : memref<80xi32, #tpu.memory_space<vmem>>) semaphore(%arg33 : memref<!tpu.dma_semaphore, #tpu.memory_space<semaphore_mem>>) {add = true}
      %add3A_252 = arith.constant 4 : i32
      %add3A_253 = arith.addi %add3A_226, %add3A_252 : i32
      %lt3A_254 = arith.constant 125 : i32
      %lt3A_255 = arith.cmpi slt, %add3A_253, %lt3A_254 : i32
      %convert_element_type3A_256 = arith.extui %lt3A_255 : i1 to i32
      %cond3A_257 = arith.constant 0 : i32
      %cond3A_258 = arith.cmpi ne, %convert_element_type3A_256, %cond3A_257 : i32
      scf.if %cond3A_258 {
        %add3A_307 = arith.constant 4 : i32
        %add3A_308 = arith.addi %add3A_226, %add3A_307 : i32
        %dma_start3A_309 = arith.constant 0 : i32
        %dma_start3A_310 = tpu.memref_slice %arg3[%add3A, %add3A_308, %dma_start3A_309] : memref<32x125x80xi32, #tpu.memory_space<hbm>> -> memref<1x1x80xi32, #tpu.memory_space<hbm>>
        %dma_start3A_311 = tpu.memref_squeeze %dma_start3A_310 : memref<1x1x80xi32, #tpu.memory_space<hbm>> -> memref<80xi32, #tpu.memory_space<hbm>>
        %dma_start3A_312 = arith.constant 0 : i32
        %dma_start3A_313 = tpu.memref_slice %arg3[%add3A, %add3A_308, %dma_start3A_312] : memref<32x125x80xi32, #tpu.memory_space<hbm>> -> memref<1x1x80xi32, #tpu.memory_space<hbm>>
        %dma_start3A_314 = tpu.memref_squeeze %dma_start3A_313 : memref<1x1x80xi32, #tpu.memory_space<hbm>> -> memref<80xi32, #tpu.memory_space<hbm>>
        tpu.enqueue_dma source(%dma_start3A_314 : memref<80xi32, #tpu.memory_space<hbm>>) target(%arg8 : memref<80xi32, #tpu.memory_space<vmem>>) target_semaphore(%arg25 : memref<!tpu.dma_semaphore, #tpu.memory_space<semaphore_mem>>)
      } else {
      }
      %add3A_259 = arith.constant 2 : i32
      %add3A_260 = arith.addi %add3A_226, %add3A_259 : i32
      %lt3A_261 = arith.constant 125 : i32
      %lt3A_262 = arith.cmpi slt, %add3A_260, %lt3A_261 : i32
      %convert_element_type3A_263 = arith.extui %lt3A_262 : i1 to i32
      %cond3A_264 = arith.constant 0 : i32
      %cond3A_265 = arith.cmpi ne, %convert_element_type3A_263, %cond3A_264 : i32
      scf.if %cond3A_265 {
        %add3A_307 = arith.constant 2 : i32
        %add3A_308 = arith.addi %add3A_226, %add3A_307 : i32
        %dma_start3A_309 = arith.constant 0 : i32
        %dma_start3A_310 = tpu.memref_slice %arg4[%add3A, %add3A_308, %dma_start3A_309] : memref<32x125x80xi32, #tpu.memory_space<hbm>> -> memref<1x1x80xi32, #tpu.memory_space<hbm>>
        %dma_start3A_311 = tpu.memref_squeeze %dma_start3A_310 : memref<1x1x80xi32, #tpu.memory_space<hbm>> -> memref<80xi32, #tpu.memory_space<hbm>>
        %dma_start3A_312 = arith.constant 0 : i32
        %dma_start3A_313 = tpu.memref_slice %arg4[%add3A, %add3A_308, %dma_start3A_312] : memref<32x125x80xi32, #tpu.memory_space<hbm>> -> memref<1x1x80xi32, #tpu.memory_space<hbm>>
        %dma_start3A_314 = tpu.memref_squeeze %dma_start3A_313 : memref<1x1x80xi32, #tpu.memory_space<hbm>> -> memref<80xi32, #tpu.memory_space<hbm>>
        tpu.enqueue_dma source(%dma_start3A_314 : memref<80xi32, #tpu.memory_space<hbm>>) target(%arg10 : memref<80xi32, #tpu.memory_space<vmem>>) target_semaphore(%arg27 : memref<!tpu.dma_semaphore, #tpu.memory_space<semaphore_mem>>)
      } else {
      }
      %add3A_266 = arith.constant 3 : i32
      %add3A_267 = arith.addi %mul3A_142, %add3A_266 : i32
      %dma_wait3A_268 = arith.constant 0 : i32
      %dma_wait3A_269 = arith.constant 0 : i32
      %dma_wait3A_270 = tpu.memref_slice %arg2[%dma_wait3A_268, %dma_wait3A_269] : memref<10000x128xf32, #tpu.memory_space<hbm>> -> memref<10000x128xf32, #tpu.memory_space<hbm>>
      tpu.wait_indirect_dma semaphore(%arg22 : memref<!tpu.dma_semaphore, #tpu.memory_space<semaphore_mem>>) src(%dma_wait3A_270 : memref<10000x128xf32, #tpu.memory_space<hbm>>) dst(%arg17 : memref<80x128xf32, #tpu.memory_space<vmem>>)
      %ge3A_271 = arith.constant 1 : i32
      %ge3A_272 = arith.cmpi sge, %add3A_267, %ge3A_271 : i32
      %convert_element_type3A_273 = arith.extui %ge3A_272 : i1 to i32
      %cond3A_274 = arith.constant 0 : i32
      %cond3A_275 = arith.cmpi ne, %convert_element_type3A_273, %cond3A_274 : i32
      scf.if %cond3A_275 {
        %dma_wait3A_307 = arith.constant 0 : i32
        %dma_wait3A_308 = arith.constant 0 : i32
        %dma_wait3A_309 = tpu.memref_slice %arg18[%dma_wait3A_307, %dma_wait3A_308] : memref<10240x128xf32, #tpu.memory_space<vmem_shared>> -> memref<10240x128xf32, #tpu.memory_space<vmem_shared>>
        tpu.wait_indirect_dma semaphore(%arg33 : memref<!tpu.dma_semaphore, #tpu.memory_space<semaphore_mem>>) src(%arg16 : memref<80x128xf32, #tpu.memory_space<vmem>>) dst(%dma_wait3A_309 : memref<10240x128xf32, #tpu.memory_space<vmem_shared>>)
      } else {
      }
      %add3A_276 = arith.constant 3 : i32
      %add3A_277 = arith.addi %add3A_267, %add3A_276 : i32
      %lt3A_278 = arith.constant 125 : i32
      %lt3A_279 = arith.cmpi slt, %add3A_277, %lt3A_278 : i32
      %convert_element_type3A_280 = arith.extui %lt3A_279 : i1 to i32
      %cond3A_281 = arith.constant 0 : i32
      %cond3A_282 = arith.cmpi ne, %convert_element_type3A_280, %cond3A_281 : i32
      scf.if %cond3A_282 {
        %dma_wait3A_307 = arith.constant 0 : i32
        %dma_wait3A_308 = arith.constant 0 : i32
        %dma_wait3A_309 = tpu.memref_slice %arg3[%add3A, %dma_wait3A_307, %dma_wait3A_308] : memref<32x125x80xi32, #tpu.memory_space<hbm>> -> memref<1x1x80xi32, #tpu.memory_space<hbm>>
        %dma_wait3A_310 = tpu.memref_squeeze %dma_wait3A_309 : memref<1x1x80xi32, #tpu.memory_space<hbm>> -> memref<80xi32, #tpu.memory_space<hbm>>
        %dma_wait3A_311 = arith.constant 0 : i32
        %dma_wait3A_312 = tpu.memref_slice %arg3[%add3A, %dma_wait3A_307, %dma_wait3A_311] : memref<32x125x80xi32, #tpu.memory_space<hbm>> -> memref<1x1x80xi32, #tpu.memory_space<hbm>>
        %dma_wait3A_313 = tpu.memref_squeeze %dma_wait3A_312 : memref<1x1x80xi32, #tpu.memory_space<hbm>> -> memref<80xi32, #tpu.memory_space<hbm>>
        tpu.wait_dma2 semaphore(%arg25 : memref<!tpu.dma_semaphore, #tpu.memory_space<semaphore_mem>>) src(%dma_wait3A_313 : memref<80xi32, #tpu.memory_space<hbm>>) dst(%arg8 : memref<80xi32, #tpu.memory_space<vmem>>)
        %dma_start3A_314 = arith.constant 0 : i32
        %dma_start3A_315 = arith.constant 0 : i32
        %dma_start3A_316 = tpu.memref_slice %arg2[%dma_start3A_314, %dma_start3A_315] : memref<10000x128xf32, #tpu.memory_space<hbm>> -> memref<10000x128xf32, #tpu.memory_space<hbm>>
        tpu.enqueue_indirect_dma source(%dma_start3A_316 : memref<10000x128xf32, #tpu.memory_space<hbm>>) target(%arg16 : memref<80x128xf32, #tpu.memory_space<vmem>>) offsets(%arg8 : memref<80xi32, #tpu.memory_space<vmem>>) semaphore(%arg21 : memref<!tpu.dma_semaphore, #tpu.memory_space<semaphore_mem>>)
      } else {
      }
      %dma_wait3A_283 = arith.constant 0 : i32
      %dma_wait3A_284 = arith.constant 0 : i32
      %dma_wait3A_285 = tpu.memref_slice %arg4[%add3A, %dma_wait3A_283, %dma_wait3A_284] : memref<32x125x80xi32, #tpu.memory_space<hbm>> -> memref<1x1x80xi32, #tpu.memory_space<hbm>>
      %dma_wait3A_286 = tpu.memref_squeeze %dma_wait3A_285 : memref<1x1x80xi32, #tpu.memory_space<hbm>> -> memref<80xi32, #tpu.memory_space<hbm>>
      %dma_wait3A_287 = arith.constant 0 : i32
      %dma_wait3A_288 = tpu.memref_slice %arg4[%add3A, %dma_wait3A_283, %dma_wait3A_287] : memref<32x125x80xi32, #tpu.memory_space<hbm>> -> memref<1x1x80xi32, #tpu.memory_space<hbm>>
      %dma_wait3A_289 = tpu.memref_squeeze %dma_wait3A_288 : memref<1x1x80xi32, #tpu.memory_space<hbm>> -> memref<80xi32, #tpu.memory_space<hbm>>
      tpu.wait_dma2 semaphore(%arg30 : memref<!tpu.dma_semaphore, #tpu.memory_space<semaphore_mem>>) src(%dma_wait3A_289 : memref<80xi32, #tpu.memory_space<hbm>>) dst(%arg13 : memref<80xi32, #tpu.memory_space<vmem>>)
      %dma_start3A_290 = arith.constant 0 : i32
      %dma_start3A_291 = arith.constant 0 : i32
      %dma_start3A_292 = tpu.memref_slice %arg18[%dma_start3A_290, %dma_start3A_291] : memref<10240x128xf32, #tpu.memory_space<vmem_shared>> -> memref<10240x128xf32, #tpu.memory_space<vmem_shared>>
      tpu.enqueue_indirect_dma source(%arg17 : memref<80x128xf32, #tpu.memory_space<vmem>>) target(%dma_start3A_292 : memref<10240x128xf32, #tpu.memory_space<vmem_shared>>) offsets(%arg13 : memref<80xi32, #tpu.memory_space<vmem>>) semaphore(%arg34 : memref<!tpu.dma_semaphore, #tpu.memory_space<semaphore_mem>>) {add = true}
      %add3A_293 = arith.constant 4 : i32
      %add3A_294 = arith.addi %add3A_267, %add3A_293 : i32
      %lt3A_295 = arith.constant 125 : i32
      %lt3A_296 = arith.cmpi slt, %add3A_294, %lt3A_295 : i32
      %convert_element_type3A_297 = arith.extui %lt3A_296 : i1 to i32
      %cond3A_298 = arith.constant 0 : i32
      %cond3A_299 = arith.cmpi ne, %convert_element_type3A_297, %cond3A_298 : i32
      scf.if %cond3A_299 {
        %add3A_307 = arith.constant 4 : i32
        %add3A_308 = arith.addi %add3A_267, %add3A_307 : i32
        %dma_start3A_309 = arith.constant 0 : i32
        %dma_start3A_310 = tpu.memref_slice %arg3[%add3A, %add3A_308, %dma_start3A_309] : memref<32x125x80xi32, #tpu.memory_space<hbm>> -> memref<1x1x80xi32, #tpu.memory_space<hbm>>
        %dma_start3A_311 = tpu.memref_squeeze %dma_start3A_310 : memref<1x1x80xi32, #tpu.memory_space<hbm>> -> memref<80xi32, #tpu.memory_space<hbm>>
        %dma_start3A_312 = arith.constant 0 : i32
        %dma_start3A_313 = tpu.memref_slice %arg3[%add3A, %add3A_308, %dma_start3A_312] : memref<32x125x80xi32, #tpu.memory_space<hbm>> -> memref<1x1x80xi32, #tpu.memory_space<hbm>>
        %dma_start3A_314 = tpu.memref_squeeze %dma_start3A_313 : memref<1x1x80xi32, #tpu.memory_space<hbm>> -> memref<80xi32, #tpu.memory_space<hbm>>
        tpu.enqueue_dma source(%dma_start3A_314 : memref<80xi32, #tpu.memory_space<hbm>>) target(%arg9 : memref<80xi32, #tpu.memory_space<vmem>>) target_semaphore(%arg26 : memref<!tpu.dma_semaphore, #tpu.memory_space<semaphore_mem>>)
      } else {
      }
      %add3A_300 = arith.constant 2 : i32
      %add3A_301 = arith.addi %add3A_267, %add3A_300 : i32
      %lt3A_302 = arith.constant 125 : i32
      %lt3A_303 = arith.cmpi slt, %add3A_301, %lt3A_302 : i32
      %convert_element_type3A_304 = arith.extui %lt3A_303 : i1 to i32
      %cond3A_305 = arith.constant 0 : i32
      %cond3A_306 = arith.cmpi ne, %convert_element_type3A_304, %cond3A_305 : i32
      scf.if %cond3A_306 {
        %add3A_307 = arith.constant 2 : i32
        %add3A_308 = arith.addi %add3A_267, %add3A_307 : i32
        %dma_start3A_309 = arith.constant 0 : i32
        %dma_start3A_310 = tpu.memref_slice %arg4[%add3A, %add3A_308, %dma_start3A_309] : memref<32x125x80xi32, #tpu.memory_space<hbm>> -> memref<1x1x80xi32, #tpu.memory_space<hbm>>
        %dma_start3A_311 = tpu.memref_squeeze %dma_start3A_310 : memref<1x1x80xi32, #tpu.memory_space<hbm>> -> memref<80xi32, #tpu.memory_space<hbm>>
        %dma_start3A_312 = arith.constant 0 : i32
        %dma_start3A_313 = tpu.memref_slice %arg4[%add3A, %add3A_308, %dma_start3A_312] : memref<32x125x80xi32, #tpu.memory_space<hbm>> -> memref<1x1x80xi32, #tpu.memory_space<hbm>>
        %dma_start3A_314 = tpu.memref_squeeze %dma_start3A_313 : memref<1x1x80xi32, #tpu.memory_space<hbm>> -> memref<80xi32, #tpu.memory_space<hbm>>
        tpu.enqueue_dma source(%dma_start3A_314 : memref<80xi32, #tpu.memory_space<hbm>>) target(%arg11 : memref<80xi32, #tpu.memory_space<vmem>>) target_semaphore(%arg28 : memref<!tpu.dma_semaphore, #tpu.memory_space<semaphore_mem>>)
      } else {
      }
    }
    %scan3A_88 = arith.constant 31 : i32
    %dma_wait3A_89 = arith.constant 0 : i32
    %dma_wait3A_90 = arith.constant 0 : i32
    %dma_wait3A_91 = tpu.memref_slice %arg2[%dma_wait3A_89, %dma_wait3A_90] : memref<10000x128xf32, #tpu.memory_space<hbm>> -> memref<10000x128xf32, #tpu.memory_space<hbm>>
    tpu.wait_indirect_dma semaphore(%arg19 : memref<!tpu.dma_semaphore, #tpu.memory_space<semaphore_mem>>) src(%dma_wait3A_91 : memref<10000x128xf32, #tpu.memory_space<hbm>>) dst(%arg14 : memref<80x128xf32, #tpu.memory_space<vmem>>)
    %ge3A = arith.constant 124 : i32
    %ge3A_92 = arith.constant 1 : i32
    %ge3A_93 = arith.cmpi sge, %ge3A, %ge3A_92 : i32
    %convert_element_type3A = arith.extui %ge3A_93 : i1 to i32
    %cond3A = arith.constant 0 : i32
    %cond3A_94 = arith.cmpi ne, %convert_element_type3A, %cond3A : i32
    scf.if %cond3A_94 {
      %dma_wait3A_140 = arith.constant 0 : i32
      %dma_wait3A_141 = arith.constant 0 : i32
      %dma_wait3A_142 = tpu.memref_slice %arg18[%dma_wait3A_140, %dma_wait3A_141] : memref<10240x128xf32, #tpu.memory_space<vmem_shared>> -> memref<10240x128xf32, #tpu.memory_space<vmem_shared>>
      tpu.wait_indirect_dma semaphore(%arg34 : memref<!tpu.dma_semaphore, #tpu.memory_space<semaphore_mem>>) src(%arg17 : memref<80x128xf32, #tpu.memory_space<vmem>>) dst(%dma_wait3A_142 : memref<10240x128xf32, #tpu.memory_space<vmem_shared>>)
    } else {
    }
    %add3A_95 = arith.constant 124 : i32
    %add3A_96 = arith.constant 3 : i32
    %add3A_97 = arith.addi %add3A_95, %add3A_96 : i32
    %lt3A = arith.constant 125 : i32
    %lt3A_98 = arith.cmpi slt, %add3A_97, %lt3A : i32
    %convert_element_type3A_99 = arith.extui %lt3A_98 : i1 to i32
    %cond3A_100 = arith.constant 0 : i32
    %cond3A_101 = arith.cmpi ne, %convert_element_type3A_99, %cond3A_100 : i32
    scf.if %cond3A_101 {
      %dma_wait3A_140 = arith.constant 0 : i32
      %dma_wait3A_141 = arith.constant 0 : i32
      %dma_wait3A_142 = tpu.memref_slice %arg3[%add3A, %dma_wait3A_140, %dma_wait3A_141] : memref<32x125x80xi32, #tpu.memory_space<hbm>> -> memref<1x1x80xi32, #tpu.memory_space<hbm>>
      %dma_wait3A_143 = tpu.memref_squeeze %dma_wait3A_142 : memref<1x1x80xi32, #tpu.memory_space<hbm>> -> memref<80xi32, #tpu.memory_space<hbm>>
      %dma_wait3A_144 = arith.constant 0 : i32
      %dma_wait3A_145 = tpu.memref_slice %arg3[%add3A, %dma_wait3A_140, %dma_wait3A_144] : memref<32x125x80xi32, #tpu.memory_space<hbm>> -> memref<1x1x80xi32, #tpu.memory_space<hbm>>
      %dma_wait3A_146 = tpu.memref_squeeze %dma_wait3A_145 : memref<1x1x80xi32, #tpu.memory_space<hbm>> -> memref<80xi32, #tpu.memory_space<hbm>>
      tpu.wait_dma2 semaphore(%arg26 : memref<!tpu.dma_semaphore, #tpu.memory_space<semaphore_mem>>) src(%dma_wait3A_146 : memref<80xi32, #tpu.memory_space<hbm>>) dst(%arg9 : memref<80xi32, #tpu.memory_space<vmem>>)
      %dma_start3A_147 = arith.constant 0 : i32
      %dma_start3A_148 = arith.constant 0 : i32
      %dma_start3A_149 = tpu.memref_slice %arg2[%dma_start3A_147, %dma_start3A_148] : memref<10000x128xf32, #tpu.memory_space<hbm>> -> memref<10000x128xf32, #tpu.memory_space<hbm>>
      tpu.enqueue_indirect_dma source(%dma_start3A_149 : memref<10000x128xf32, #tpu.memory_space<hbm>>) target(%arg17 : memref<80x128xf32, #tpu.memory_space<vmem>>) offsets(%arg9 : memref<80xi32, #tpu.memory_space<vmem>>) semaphore(%arg22 : memref<!tpu.dma_semaphore, #tpu.memory_space<semaphore_mem>>)
    } else {
    }
    %dma_wait3A_102 = arith.constant 0 : i32
    %dma_wait3A_103 = arith.constant 0 : i32
    %dma_wait3A_104 = tpu.memref_slice %arg4[%add3A, %dma_wait3A_102, %dma_wait3A_103] : memref<32x125x80xi32, #tpu.memory_space<hbm>> -> memref<1x1x80xi32, #tpu.memory_space<hbm>>
    %dma_wait3A_105 = tpu.memref_squeeze %dma_wait3A_104 : memref<1x1x80xi32, #tpu.memory_space<hbm>> -> memref<80xi32, #tpu.memory_space<hbm>>
    %dma_wait3A_106 = arith.constant 0 : i32
    %dma_wait3A_107 = tpu.memref_slice %arg4[%add3A, %dma_wait3A_102, %dma_wait3A_106] : memref<32x125x80xi32, #tpu.memory_space<hbm>> -> memref<1x1x80xi32, #tpu.memory_space<hbm>>
    %dma_wait3A_108 = tpu.memref_squeeze %dma_wait3A_107 : memref<1x1x80xi32, #tpu.memory_space<hbm>> -> memref<80xi32, #tpu.memory_space<hbm>>
    tpu.wait_dma2 semaphore(%arg27 : memref<!tpu.dma_semaphore, #tpu.memory_space<semaphore_mem>>) src(%dma_wait3A_108 : memref<80xi32, #tpu.memory_space<hbm>>) dst(%arg10 : memref<80xi32, #tpu.memory_space<vmem>>)
    %dma_start3A_109 = arith.constant 0 : i32
    %dma_start3A_110 = arith.constant 0 : i32
    %dma_start3A_111 = tpu.memref_slice %arg18[%dma_start3A_109, %dma_start3A_110] : memref<10240x128xf32, #tpu.memory_space<vmem_shared>> -> memref<10240x128xf32, #tpu.memory_space<vmem_shared>>
    tpu.enqueue_indirect_dma source(%arg14 : memref<80x128xf32, #tpu.memory_space<vmem>>) target(%dma_start3A_111 : memref<10240x128xf32, #tpu.memory_space<vmem_shared>>) offsets(%arg10 : memref<80xi32, #tpu.memory_space<vmem>>) semaphore(%arg31 : memref<!tpu.dma_semaphore, #tpu.memory_space<semaphore_mem>>) {add = true}
    %add3A_112 = arith.constant 124 : i32
    %add3A_113 = arith.constant 4 : i32
    %add3A_114 = arith.addi %add3A_112, %add3A_113 : i32
    %lt3A_115 = arith.constant 125 : i32
    %lt3A_116 = arith.cmpi slt, %add3A_114, %lt3A_115 : i32
    %convert_element_type3A_117 = arith.extui %lt3A_116 : i1 to i32
    %cond3A_118 = arith.constant 124 : i32
    %cond3A_119 = arith.constant 0 : i32
    %cond3A_120 = arith.cmpi ne, %convert_element_type3A_117, %cond3A_119 : i32
    scf.if %cond3A_120 {
      %add3A_140 = arith.constant 4 : i32
      %add3A_141 = arith.addi %cond3A_118, %add3A_140 : i32
      %dma_start3A_142 = arith.constant 0 : i32
      %dma_start3A_143 = tpu.memref_slice %arg3[%add3A, %add3A_141, %dma_start3A_142] : memref<32x125x80xi32, #tpu.memory_space<hbm>> -> memref<1x1x80xi32, #tpu.memory_space<hbm>>
      %dma_start3A_144 = tpu.memref_squeeze %dma_start3A_143 : memref<1x1x80xi32, #tpu.memory_space<hbm>> -> memref<80xi32, #tpu.memory_space<hbm>>
      %dma_start3A_145 = arith.constant 0 : i32
      %dma_start3A_146 = tpu.memref_slice %arg3[%add3A, %add3A_141, %dma_start3A_145] : memref<32x125x80xi32, #tpu.memory_space<hbm>> -> memref<1x1x80xi32, #tpu.memory_space<hbm>>
      %dma_start3A_147 = tpu.memref_squeeze %dma_start3A_146 : memref<1x1x80xi32, #tpu.memory_space<hbm>> -> memref<80xi32, #tpu.memory_space<hbm>>
      tpu.enqueue_dma source(%dma_start3A_147 : memref<80xi32, #tpu.memory_space<hbm>>) target(%arg6 : memref<80xi32, #tpu.memory_space<vmem>>) target_semaphore(%arg23 : memref<!tpu.dma_semaphore, #tpu.memory_space<semaphore_mem>>)
    } else {
    }
    %add3A_121 = arith.constant 124 : i32
    %add3A_122 = arith.constant 2 : i32
    %add3A_123 = arith.addi %add3A_121, %add3A_122 : i32
    %lt3A_124 = arith.constant 125 : i32
    %lt3A_125 = arith.cmpi slt, %add3A_123, %lt3A_124 : i32
    %convert_element_type3A_126 = arith.extui %lt3A_125 : i1 to i32
    %cond3A_127 = arith.constant 124 : i32
    %cond3A_128 = arith.constant 0 : i32
    %cond3A_129 = arith.cmpi ne, %convert_element_type3A_126, %cond3A_128 : i32
    scf.if %cond3A_129 {
      %add3A_140 = arith.constant 2 : i32
      %add3A_141 = arith.addi %cond3A_127, %add3A_140 : i32
      %dma_start3A_142 = arith.constant 0 : i32
      %dma_start3A_143 = tpu.memref_slice %arg4[%add3A, %add3A_141, %dma_start3A_142] : memref<32x125x80xi32, #tpu.memory_space<hbm>> -> memref<1x1x80xi32, #tpu.memory_space<hbm>>
      %dma_start3A_144 = tpu.memref_squeeze %dma_start3A_143 : memref<1x1x80xi32, #tpu.memory_space<hbm>> -> memref<80xi32, #tpu.memory_space<hbm>>
      %dma_start3A_145 = arith.constant 0 : i32
      %dma_start3A_146 = tpu.memref_slice %arg4[%add3A, %add3A_141, %dma_start3A_145] : memref<32x125x80xi32, #tpu.memory_space<hbm>> -> memref<1x1x80xi32, #tpu.memory_space<hbm>>
      %dma_start3A_147 = tpu.memref_squeeze %dma_start3A_146 : memref<1x1x80xi32, #tpu.memory_space<hbm>> -> memref<80xi32, #tpu.memory_space<hbm>>
      tpu.enqueue_dma source(%dma_start3A_147 : memref<80xi32, #tpu.memory_space<hbm>>) target(%arg12 : memref<80xi32, #tpu.memory_space<vmem>>) target_semaphore(%arg29 : memref<!tpu.dma_semaphore, #tpu.memory_space<semaphore_mem>>)
    } else {
    }
    %dma_wait3A_130 = arith.constant 0 : i32
    %dma_wait3A_131 = arith.constant 0 : i32
    %dma_wait3A_132 = tpu.memref_slice %arg18[%dma_wait3A_130, %dma_wait3A_131] : memref<10240x128xf32, #tpu.memory_space<vmem_shared>> -> memref<10240x128xf32, #tpu.memory_space<vmem_shared>>
    tpu.wait_indirect_dma semaphore(%arg31 : memref<!tpu.dma_semaphore, #tpu.memory_space<semaphore_mem>>) src(%arg14 : memref<80x128xf32, #tpu.memory_space<vmem>>) dst(%dma_wait3A_132 : memref<10240x128xf32, #tpu.memory_space<vmem_shared>>)
    %barrier3A_133 = arith.constant 0 : index
    tpu.barrier barrier_id(%barrier3A_133)
    %scan3A_134 = arith.constant 0 : i32
    %scan3A_135 = arith.constant 0 : i32
    %scan3A_136 = arith.constant 5 : i32
    %scan3A_137 = arith.addi %scan3A_135, %scan3A_136 : i32
    %scan3A_138 = arith.constant 1 : i32
    scf.for %scan3A_140 = %scan3A_135 to %scan3A_137 step %scan3A_138  : i32 {
      %mul3A_141 = arith.constant 5 : i32
      %mul3A_142 = arith.muli %arg1, %mul3A_141 : i32
      %add3A_143 = arith.addi %mul3A_142, %scan3A_140 : i32
      %mul3A_144 = arith.constant 128 : i32
      %mul3A_145 = arith.muli %add3A_143, %mul3A_144 : i32
      %mul3A_146 = arith.constant 128 : i32
      %mul3A_147 = arith.muli %add3A_143, %mul3A_146 : i32
      "tpu.region"() ({
        %run_scoped3A = tpu.sem_alloc : memref<!tpu.dma_semaphore, #tpu.memory_space<semaphore_mem>>
        %dma_start3A_148 = arith.constant 0 : i32
        %dma_start3A_149 = tpu.memref_slice %arg5[%arg0, %mul3A_147, %dma_start3A_148] : memref<2x10240x128xf32, #tpu.memory_space<hbm>> -> memref<1x128x128xf32, #tpu.memory_space<hbm>>
        %dma_start3A_150 = tpu.memref_squeeze %dma_start3A_149 : memref<1x128x128xf32, #tpu.memory_space<hbm>> -> memref<128x128xf32, #tpu.memory_space<hbm>>
        %dma_start3A_151 = arith.constant 0 : i32
        %dma_start3A_152 = tpu.memref_slice %arg18[%mul3A_145, %dma_start3A_151] : memref<10240x128xf32, #tpu.memory_space<vmem_shared>> -> memref<128x128xf32, #tpu.memory_space<vmem_shared>>
        tpu.enqueue_dma source(%dma_start3A_152 : memref<128x128xf32, #tpu.memory_space<vmem_shared>>) target(%dma_start3A_150 : memref<128x128xf32, #tpu.memory_space<hbm>>) target_semaphore(%run_scoped3A : memref<!tpu.dma_semaphore, #tpu.memory_space<semaphore_mem>>)
        %dma_wait3A_153 = arith.constant 0 : i32
        %dma_wait3A_154 = tpu.memref_slice %arg5[%arg0, %mul3A_147, %dma_wait3A_153] : memref<2x10240x128xf32, #tpu.memory_space<hbm>> -> memref<1x128x128xf32, #tpu.memory_space<hbm>>
        %dma_wait3A_155 = tpu.memref_squeeze %dma_wait3A_154 : memref<1x128x128xf32, #tpu.memory_space<hbm>> -> memref<128x128xf32, #tpu.memory_space<hbm>>
        %dma_wait3A_156 = arith.constant 0 : i32
        %dma_wait3A_157 = tpu.memref_slice %arg18[%mul3A_145, %dma_wait3A_156] : memref<10240x128xf32, #tpu.memory_space<vmem_shared>> -> memref<128x128xf32, #tpu.memory_space<vmem_shared>>
        tpu.wait_dma2 semaphore(%run_scoped3A : memref<!tpu.dma_semaphore, #tpu.memory_space<semaphore_mem>>) src(%dma_wait3A_157 : memref<128x128xf32, #tpu.memory_space<vmem_shared>>) dst(%dma_wait3A_155 : memref<128x128xf32, #tpu.memory_space<hbm>>)
        tpu.yield
      }) : () -> ()
    }
    %scan3A_139 = arith.constant 5 : i32
    return
  }
}

module attributes {stable_mosaic.version = 14 : i64} {
  func.func @_mlp_body(%arg0: i32, %arg1: memref<1000x128xf32, #tpu.memory_space<vmem>>, %arg2: memref<128x128xf32, #tpu.memory_space<vmem>>, %arg3: memref<1x128xf32, #tpu.memory_space<vmem>>, %arg4: memref<1000x128xf32, #tpu.memory_space<vmem>>) attributes {dimension_semantics = [#tpu.dimension_semantics<arbitrary>], iteration_bounds = array<i64: 10>, scalar_prefetch = 0 : i64, scratch_operands = 0 : i64, tpu.core_type = #tpu.core_type<tc>, window_params = [{transform_indices = @transform_0, window_bounds = array<i64: 1000, 128>}, {pipeline_mode = #tpu.pipeline_mode<synchronous>, transform_indices = @transform_1, window_bounds = array<i64: 128, 128>}, {pipeline_mode = #tpu.pipeline_mode<synchronous>, transform_indices = @transform_2, window_bounds = array<i64: 1, 128>}, {transform_indices = @transform_3, window_bounds = array<i64: 1000, 128>}]} {
    %get3A = arith.constant 0 : index
    %get3A_0 = arith.constant 0 : index
    %get3A_1 = vector.load %arg1[%get3A, %get3A_0] : memref<1000x128xf32, #tpu.memory_space<vmem>>, vector<1000x128xf32>
    %get3A_2 = arith.constant 0 : index
    %get3A_3 = arith.constant 0 : index
    %get3A_4 = vector.load %arg2[%get3A_2, %get3A_3] : memref<128x128xf32, #tpu.memory_space<vmem>>, vector<128x128xf32>
    %dot_general3A = arith.constant dense<0.000000e+00> : vector<1000x128xf32>
    %dot_general3A_5 = tpu.matmul %get3A_1, %get3A_4, %dot_general3A {dimension_numbers = #tpu.dot_dimension_numbers<[1], [0], [0], [1], [0, 0, 1, 1], [], []>, transpose_lhs_hint = false} : vector<1000x128xf32>, vector<128x128xf32>, vector<1000x128xf32> -> vector<1000x128xf32>
    %get3A_6 = arith.constant 0 : index
    %get3A_7 = arith.constant 0 : index
    %get3A_8 = vector.load %arg3[%get3A_6, %get3A_7] : memref<1x128xf32, #tpu.memory_space<vmem>>, vector<1x128xf32>
    %add3A = vector.broadcast %get3A_8 : vector<1x128xf32> to vector<1000x128xf32>
    %add3A_9 = arith.addf %dot_general3A_5, %add3A : vector<1000x128xf32>
    %max3A = arith.constant 0.000000e+00 : f32
    %max3A_10 = vector.broadcast %max3A : f32 to vector<1000x128xf32>
    %max3A_11 = arith.maximumf %add3A_9, %max3A_10 : vector<1000x128xf32>
    %swap3A = arith.constant 0 : index
    %swap3A_12 = arith.constant 0 : index
    %swap3A_13 = vector.load %arg4[%swap3A, %swap3A_12] : memref<1000x128xf32, #tpu.memory_space<vmem>>, vector<1000x128xf32>
    tpu.vector_store %arg4[%swap3A, %swap3A_12], %max3A_11 {strides = array<i32>} : memref<1000x128xf32, #tpu.memory_space<vmem>>, vector<1000x128xf32>,
    return
  }
  func.func @transform_0(%arg0: i32) -> (i32, i32) {
    %c0_i32 = arith.constant 0 : i32
    %c0_i32_0 = arith.constant 0 : i32
    return %arg0, %c0_i32 : i32, i32
  }
  func.func @transform_1(%arg0: i32) -> (i32, i32) {
    %c0_i32 = arith.constant 0 : i32
    %c0_i32_0 = arith.constant 0 : i32
    %c0_i32_1 = arith.constant 0 : i32
    return %c0_i32, %c0_i32_0 : i32, i32
  }
  func.func @transform_2(%arg0: i32) -> (i32, i32) {
    %c0_i32 = arith.constant 0 : i32
    %c0_i32_0 = arith.constant 0 : i32
    %c0_i32_1 = arith.constant 0 : i32
    return %c0_i32, %c0_i32_0 : i32, i32
  }
  func.func @transform_3(%arg0: i32) -> (i32, i32) {
    %c0_i32 = arith.constant 0 : i32
    %c0_i32_0 = arith.constant 0 : i32
    return %arg0, %c0_i32 : i32, i32
  }
}

module attributes {stable_mosaic.version = 14 : i64} {
  func.func @_gru_head_body(%arg0: i32, %arg1: memref<2x1000x128xf32, #tpu.memory_space<vmem>>, %arg2: memref<1000x128xf32, #tpu.memory_space<vmem>>, %arg3: memref<1000x128xf32, #tpu.memory_space<vmem>>, %arg4: memref<128x384xf32, #tpu.memory_space<vmem>>, %arg5: memref<128x384xf32, #tpu.memory_space<vmem>>, %arg6: memref<1x384xf32, #tpu.memory_space<vmem>>, %arg7: memref<1x384xf32, #tpu.memory_space<vmem>>, %arg8: memref<128x128xf32, #tpu.memory_space<vmem>>, %arg9: memref<1x128xf32, #tpu.memory_space<vmem>>, %arg10: memref<128x1xf32, #tpu.memory_space<vmem>>, %arg11: memref<128x1xf32, #tpu.memory_space<vmem>>, %arg12: memref<1x1xf32, #tpu.memory_space<vmem>>, %arg13: memref<1000x1xf32, #tpu.memory_space<vmem>>, %arg14: memref<1000x128xf32, #tpu.memory_space<vmem>>) attributes {dimension_semantics = [#tpu.dimension_semantics<arbitrary>], iteration_bounds = array<i64: 10>, scalar_prefetch = 0 : i64, scratch_operands = 0 : i64, tpu.core_type = #tpu.core_type<tc>, window_params = [{transform_indices = @transform_0, window_bounds = array<i64: 2, 1000, 128>}, {transform_indices = @transform_1, window_bounds = array<i64: 1000, 128>}, {transform_indices = @transform_2, window_bounds = array<i64: 1000, 128>}, {pipeline_mode = #tpu.pipeline_mode<synchronous>, transform_indices = @transform_3, window_bounds = array<i64: 128, 384>}, {pipeline_mode = #tpu.pipeline_mode<synchronous>, transform_indices = @transform_4, window_bounds = array<i64: 128, 384>}, {pipeline_mode = #tpu.pipeline_mode<synchronous>, transform_indices = @transform_5, window_bounds = array<i64: 1, 384>}, {pipeline_mode = #tpu.pipeline_mode<synchronous>, transform_indices = @transform_6, window_bounds = array<i64: 1, 384>}, {pipeline_mode = #tpu.pipeline_mode<synchronous>, transform_indices = @transform_7, window_bounds = array<i64: 128, 128>}, {pipeline_mode = #tpu.pipeline_mode<synchronous>, transform_indices = @transform_8, window_bounds = array<i64: 1, 128>}, {pipeline_mode = #tpu.pipeline_mode<synchronous>, transform_indices = @transform_9, window_bounds = array<i64: 128, 1>}, {pipeline_mode = #tpu.pipeline_mode<synchronous>, transform_indices = @transform_10, window_bounds = array<i64: 128, 1>}, {pipeline_mode = #tpu.pipeline_mode<synchronous>, transform_indices = @transform_11, window_bounds = array<i64: 1, 1>}, {transform_indices = @transform_12, window_bounds = array<i64: 1000, 1>}, {transform_indices = @transform_13, window_bounds = array<i64: 1000, 128>}]} {
    %get3A = arith.constant 0 : index
    %get3A_0 = arith.constant 0 : index
    %get3A_1 = arith.constant 0 : index
    %get3A_2 = vector.load %arg1[%get3A, %get3A_0, %get3A_1] : memref<2x1000x128xf32, #tpu.memory_space<vmem>>, vector<1x1000x128xf32>
    %get3A_3 = vector.shape_cast %get3A_2 : vector<1x1000x128xf32> to vector<1000x128xf32>
    %get3A_4 = arith.constant 1 : index
    %get3A_5 = arith.constant 0 : index
    %get3A_6 = arith.constant 0 : index
    %get3A_7 = vector.load %arg1[%get3A_4, %get3A_5, %get3A_6] : memref<2x1000x128xf32, #tpu.memory_space<vmem>>, vector<1x1000x128xf32>
    %get3A_8 = vector.shape_cast %get3A_7 : vector<1x1000x128xf32> to vector<1000x128xf32>
    %add3A = arith.addf %get3A_3, %get3A_8 : vector<1000x128xf32>
    %get3A_9 = arith.constant 0 : index
    %get3A_10 = arith.constant 0 : index
    %get3A_11 = vector.load %arg3[%get3A_9, %get3A_10] : memref<1000x128xf32, #tpu.memory_space<vmem>>, vector<1000x128xf32>
    %get3A_12 = arith.constant 0 : index
    %get3A_13 = arith.constant 0 : index
    %get3A_14 = vector.load %arg4[%get3A_12, %get3A_13] : memref<128x384xf32, #tpu.memory_space<vmem>>, vector<128x384xf32>
    %dot_general3A = arith.constant dense<0.000000e+00> : vector<1000x384xf32>
    %dot_general3A_15 = tpu.matmul %add3A, %get3A_14, %dot_general3A {dimension_numbers = #tpu.dot_dimension_numbers<[1], [0], [0], [1], [0, 0, 1, 1], [], []>, transpose_lhs_hint = false} : vector<1000x128xf32>, vector<128x384xf32>, vector<1000x384xf32> -> vector<1000x384xf32>
    %get3A_16 = arith.constant 0 : index
    %get3A_17 = arith.constant 0 : index
    %get3A_18 = vector.load %arg6[%get3A_16, %get3A_17] : memref<1x384xf32, #tpu.memory_space<vmem>>, vector<1x384xf32>
    %add3A_19 = vector.broadcast %get3A_18 : vector<1x384xf32> to vector<1000x384xf32>
    %add3A_20 = arith.addf %dot_general3A_15, %add3A_19 : vector<1000x384xf32>
    %get3A_21 = arith.constant 0 : index
    %get3A_22 = arith.constant 0 : index
    %get3A_23 = vector.load %arg5[%get3A_21, %get3A_22] : memref<128x384xf32, #tpu.memory_space<vmem>>, vector<128x384xf32>
    %dot_general3A_24 = arith.constant dense<0.000000e+00> : vector<1000x384xf32>
    %dot_general3A_25 = tpu.matmul %get3A_11, %get3A_23, %dot_general3A_24 {dimension_numbers = #tpu.dot_dimension_numbers<[1], [0], [0], [1], [0, 0, 1, 1], [], []>, transpose_lhs_hint = false} : vector<1000x128xf32>, vector<128x384xf32>, vector<1000x384xf32> -> vector<1000x384xf32>
    %get3A_26 = arith.constant 0 : index
    %get3A_27 = arith.constant 0 : index
    %get3A_28 = vector.load %arg7[%get3A_26, %get3A_27] : memref<1x384xf32, #tpu.memory_space<vmem>>, vector<1x384xf32>
    %add3A_29 = vector.broadcast %get3A_28 : vector<1x384xf32> to vector<1000x384xf32>
    %add3A_30 = arith.addf %dot_general3A_25, %add3A_29 : vector<1000x384xf32>
    %slice3A = vector.extract_strided_slice %add3A_20 {offsets = [0, 0], sizes = [1000, 128], strides = [1, 1]} : vector<1000x384xf32> to vector<1000x128xf32>
    %slice3A_31 = vector.extract_strided_slice %add3A_30 {offsets = [0, 0], sizes = [1000, 128], strides = [1, 1]} : vector<1000x384xf32> to vector<1000x128xf32>
    %add3A_32 = arith.addf %slice3A, %slice3A_31 : vector<1000x128xf32>
    %logistic3A = arith.negf %add3A_32 : vector<1000x128xf32>
    %logistic3A_33 = math.exp %logistic3A : vector<1000x128xf32>
    %logistic3A_34 = arith.constant 1.000000e+00 : f32
    %logistic3A_35 = vector.broadcast %logistic3A_34 : f32 to vector<1000x128xf32>
    %logistic3A_36 = arith.addf %logistic3A_35, %logistic3A_33 : vector<1000x128xf32>
    %logistic3A_37 = arith.divf %logistic3A_35, %logistic3A_36 : vector<1000x128xf32>
    %slice3A_38 = vector.extract_strided_slice %add3A_20 {offsets = [0, 128], sizes = [1000, 128], strides = [1, 1]} : vector<1000x384xf32> to vector<1000x128xf32>
    %slice3A_39 = vector.extract_strided_slice %add3A_30 {offsets = [0, 128], sizes = [1000, 128], strides = [1, 1]} : vector<1000x384xf32> to vector<1000x128xf32>
    %add3A_40 = arith.addf %slice3A_38, %slice3A_39 : vector<1000x128xf32>
    %logistic3A_41 = arith.negf %add3A_40 : vector<1000x128xf32>
    %logistic3A_42 = math.exp %logistic3A_41 : vector<1000x128xf32>
    %logistic3A_43 = arith.constant 1.000000e+00 : f32
    %logistic3A_44 = vector.broadcast %logistic3A_43 : f32 to vector<1000x128xf32>
    %logistic3A_45 = arith.addf %logistic3A_44, %logistic3A_42 : vector<1000x128xf32>
    %logistic3A_46 = arith.divf %logistic3A_44, %logistic3A_45 : vector<1000x128xf32>
    %slice3A_47 = vector.extract_strided_slice %add3A_20 {offsets = [0, 256], sizes = [1000, 128], strides = [1, 1]} : vector<1000x384xf32> to vector<1000x128xf32>
    %slice3A_48 = vector.extract_strided_slice %add3A_30 {offsets = [0, 256], sizes = [1000, 128], strides = [1, 1]} : vector<1000x384xf32> to vector<1000x128xf32>
    %mul3A = arith.mulf %logistic3A_37, %slice3A_48 : vector<1000x128xf32>
    %add3A_49 = arith.addf %slice3A_47, %mul3A : vector<1000x128xf32>
    %tanh3A = math.tanh %add3A_49 : vector<1000x128xf32>
    %sub3A = arith.constant 1.000000e+00 : f32
    %sub3A_50 = vector.broadcast %sub3A : f32 to vector<1000x128xf32>
    %sub3A_51 = arith.subf %sub3A_50, %logistic3A_46 : vector<1000x128xf32>
    %mul3A_52 = arith.mulf %sub3A_51, %tanh3A : vector<1000x128xf32>
    %mul3A_53 = arith.mulf %logistic3A_46, %get3A_11 : vector<1000x128xf32>
    %add3A_54 = arith.addf %mul3A_52, %mul3A_53 : vector<1000x128xf32>
    %swap3A = arith.constant 0 : index
    %swap3A_55 = arith.constant 0 : index
    %swap3A_56 = vector.load %arg14[%swap3A, %swap3A_55] : memref<1000x128xf32, #tpu.memory_space<vmem>>, vector<1000x128xf32>
    tpu.vector_store %arg14[%swap3A, %swap3A_55], %add3A_54 {strides = array<i32>} : memref<1000x128xf32, #tpu.memory_space<vmem>>, vector<1000x128xf32>,
    %get3A_57 = arith.constant 0 : index
    %get3A_58 = arith.constant 0 : index
    %get3A_59 = vector.load %arg8[%get3A_57, %get3A_58] : memref<128x128xf32, #tpu.memory_space<vmem>>, vector<128x128xf32>
    %dot_general3A_60 = arith.constant dense<0.000000e+00> : vector<1000x128xf32>
    %dot_general3A_61 = tpu.matmul %add3A_54, %get3A_59, %dot_general3A_60 {dimension_numbers = #tpu.dot_dimension_numbers<[1], [0], [0], [1], [0, 0, 1, 1], [], []>, transpose_lhs_hint = false} : vector<1000x128xf32>, vector<128x128xf32>, vector<1000x128xf32> -> vector<1000x128xf32>
    %get3A_62 = arith.constant 0 : index
    %get3A_63 = arith.constant 0 : index
    %get3A_64 = vector.load %arg9[%get3A_62, %get3A_63] : memref<1x128xf32, #tpu.memory_space<vmem>>, vector<1x128xf32>
    %add3A_65 = vector.broadcast %get3A_64 : vector<1x128xf32> to vector<1000x128xf32>
    %add3A_66 = arith.addf %dot_general3A_61, %add3A_65 : vector<1000x128xf32>
    %max3A = arith.constant 0.000000e+00 : f32
    %max3A_67 = vector.broadcast %max3A : f32 to vector<1000x128xf32>
    %max3A_68 = arith.maximumf %add3A_66, %max3A_67 : vector<1000x128xf32>
    %get3A_69 = arith.constant 0 : index
    %get3A_70 = arith.constant 0 : index
    %get3A_71 = vector.load %arg2[%get3A_69, %get3A_70] : memref<1000x128xf32, #tpu.memory_space<vmem>>, vector<1000x128xf32>
    %get3A_72 = arith.constant 0 : index
    %get3A_73 = arith.constant 0 : index
    %get3A_74 = vector.load %arg10[%get3A_72, %get3A_73] : memref<128x1xf32, #tpu.memory_space<vmem>>, vector<128x1xf32>
    %dot_general3A_75 = arith.constant dense<0.000000e+00> : vector<1000x1xf32>
    %dot_general3A_76 = tpu.matmul %get3A_71, %get3A_74, %dot_general3A_75 {dimension_numbers = #tpu.dot_dimension_numbers<[1], [0], [0], [1], [0, 0, 1, 1], [], []>, transpose_lhs_hint = false} : vector<1000x128xf32>, vector<128x1xf32>, vector<1000x1xf32> -> vector<1000x1xf32>
    %get3A_77 = arith.constant 0 : index
    %get3A_78 = arith.constant 0 : index
    %get3A_79 = vector.load %arg11[%get3A_77, %get3A_78] : memref<128x1xf32, #tpu.memory_space<vmem>>, vector<128x1xf32>
    %dot_general3A_80 = arith.constant dense<0.000000e+00> : vector<1000x1xf32>
    %dot_general3A_81 = tpu.matmul %max3A_68, %get3A_79, %dot_general3A_80 {dimension_numbers = #tpu.dot_dimension_numbers<[1], [0], [0], [1], [0, 0, 1, 1], [], []>, transpose_lhs_hint = false} : vector<1000x128xf32>, vector<128x1xf32>, vector<1000x1xf32> -> vector<1000x1xf32>
    %add3A_82 = arith.addf %dot_general3A_76, %dot_general3A_81 : vector<1000x1xf32>
    %get3A_83 = arith.constant 0 : index
    %get3A_84 = arith.constant 0 : index
    %get3A_85 = vector.load %arg12[%get3A_83, %get3A_84] : memref<1x1xf32, #tpu.memory_space<vmem>>, vector<1x1xf32>
    %add3A_86 = vector.broadcast %get3A_85 : vector<1x1xf32> to vector<1000x1xf32>
    %add3A_87 = arith.addf %add3A_82, %add3A_86 : vector<1000x1xf32>
    %custom_jvp_call3A = arith.constant 0.000000e+00 : f32
    %max3A_88 = vector.broadcast %custom_jvp_call3A : f32 to vector<1000x1xf32>
    %max3A_89 = arith.maximumf %add3A_87, %max3A_88 : vector<1000x1xf32>
    %sub3A_90 = vector.broadcast %custom_jvp_call3A : f32 to vector<1000x1xf32>
    %sub3A_91 = arith.subf %add3A_87, %sub3A_90 : vector<1000x1xf32>
    %ne3A = arith.cmpf one, %sub3A_91, %sub3A_91 : vector<1000x1xf32>
    %add3A_92 = vector.broadcast %custom_jvp_call3A : f32 to vector<1000x1xf32>
    %add3A_93 = arith.addf %add3A_87, %add3A_92 : vector<1000x1xf32>
    %abs3A = math.absf %sub3A_91 : vector<1000x1xf32>
    %neg3A = arith.constant 0.000000e+00 : f32
    %neg3A_94 = vector.broadcast %neg3A : f32 to vector<1000x1xf32>
    %neg3A_95 = arith.subf %neg3A_94, %abs3A : vector<1000x1xf32>
    %exp3A = math.exp %neg3A_95 : vector<1000x1xf32>
    %log1p3A = math.log1p %exp3A : vector<1000x1xf32>
    %add3A_96 = arith.addf %max3A_89, %log1p3A : vector<1000x1xf32>
    %select_n3A = arith.select %ne3A, %add3A_93, %add3A_96 : vector<1000x1xi1>, vector<1000x1xf32>
    %swap3A_97 = arith.constant 0 : index
    %swap3A_98 = arith.constant 0 : index
    %swap3A_99 = vector.load %arg13[%swap3A_97, %swap3A_98] : memref<1000x1xf32, #tpu.memory_space<vmem>>, vector<1000x1xf32>
    tpu.vector_store %arg13[%swap3A_97, %swap3A_98], %select_n3A {strides = array<i32>} : memref<1000x1xf32, #tpu.memory_space<vmem>>, vector<1000x1xf32>,
    return
  }
  func.func @transform_0(%arg0: i32) -> (i32, i32, i32) {
    %c0_i32 = arith.constant 0 : i32
    %c0_i32_0 = arith.constant 0 : i32
    %c0_i32_1 = arith.constant 0 : i32
    return %c0_i32, %arg0, %c0_i32_0 : i32, i32, i32
  }
  func.func @transform_1(%arg0: i32) -> (i32, i32) {
    %c0_i32 = arith.constant 0 : i32
    %c0_i32_0 = arith.constant 0 : i32
    return %arg0, %c0_i32 : i32, i32
  }
  func.func @transform_2(%arg0: i32) -> (i32, i32) {
    %c0_i32 = arith.constant 0 : i32
    %c0_i32_0 = arith.constant 0 : i32
    return %arg0, %c0_i32 : i32, i32
  }
  func.func @transform_3(%arg0: i32) -> (i32, i32) {
    %c0_i32 = arith.constant 0 : i32
    %c0_i32_0 = arith.constant 0 : i32
    %c0_i32_1 = arith.constant 0 : i32
    return %c0_i32, %c0_i32_0 : i32, i32
  }
  func.func @transform_4(%arg0: i32) -> (i32, i32) {
    %c0_i32 = arith.constant 0 : i32
    %c0_i32_0 = arith.constant 0 : i32
    %c0_i32_1 = arith.constant 0 : i32
    return %c0_i32, %c0_i32_0 : i32, i32
  }
  func.func @transform_5(%arg0: i32) -> (i32, i32) {
    %c0_i32 = arith.constant 0 : i32
    %c0_i32_0 = arith.constant 0 : i32
    %c0_i32_1 = arith.constant 0 : i32
    return %c0_i32, %c0_i32_0 : i32, i32
  }
  func.func @transform_6(%arg0: i32) -> (i32, i32) {
    %c0_i32 = arith.constant 0 : i32
    %c0_i32_0 = arith.constant 0 : i32
    %c0_i32_1 = arith.constant 0 : i32
    return %c0_i32, %c0_i32_0 : i32, i32
  }
  func.func @transform_7(%arg0: i32) -> (i32, i32) {
    %c0_i32 = arith.constant 0 : i32
    %c0_i32_0 = arith.constant 0 : i32
    %c0_i32_1 = arith.constant 0 : i32
    return %c0_i32, %c0_i32_0 : i32, i32
  }
  func.func @transform_8(%arg0: i32) -> (i32, i32) {
    %c0_i32 = arith.constant 0 : i32
    %c0_i32_0 = arith.constant 0 : i32
    %c0_i32_1 = arith.constant 0 : i32
    return %c0_i32, %c0_i32_0 : i32, i32
  }
  func.func @transform_9(%arg0: i32) -> (i32, i32) {
    %c0_i32 = arith.constant 0 : i32
    %c0_i32_0 = arith.constant 0 : i32
    %c0_i32_1 = arith.constant 0 : i32
    return %c0_i32, %c0_i32_0 : i32, i32
  }
  func.func @transform_10(%arg0: i32) -> (i32, i32) {
    %c0_i32 = arith.constant 0 : i32
    %c0_i32_0 = arith.constant 0 : i32
    %c0_i32_1 = arith.constant 0 : i32
    return %c0_i32, %c0_i32_0 : i32, i32
  }
  func.func @transform_11(%arg0: i32) -> (i32, i32) {
    %c0_i32 = arith.constant 0 : i32
    %c0_i32_0 = arith.constant 0 : i32
    %c0_i32_1 = arith.constant 0 : i32
    return %c0_i32, %c0_i32_0 : i32, i32
  }
  func.func @transform_12(%arg0: i32) -> (i32, i32) {
    %c0_i32 = arith.constant 0 : i32
    %c0_i32_0 = arith.constant 0 : i32
    return %arg0, %c0_i32 : i32, i32
  }
  func.func @transform_13(%arg0: i32) -> (i32, i32) {
    %c0_i32 = arith.constant 0 : i32
    %c0_i32_0 = arith.constant 0 : i32
    return %arg0, %c0_i32 : i32, i32
  }
}

</mosaic_0001>

<sc_bundles>
// kernel: kernel.5.cloned.1.call-start
scs
__scs_entry_jumppad:
0x0: {  	(pc) =	sbr.rel $0x88, $3  }
0x1: {  	(tag) =	ssettag $0x0;
	lr =	simm.s32 $0x1  }
0x2: {  	[smem:$0x3F94] =	sst lr;
	_ =	strace $0xD0000000  }
0x3: {  	_ = 	snop  }
0x4: {  	_ = 	snop  }
0x5: {  	_ = 	snop  }
0x6: {  	_ = 	snop  }
0x7: {  	_ = 	snop  }
__scs_overlays_trampoline_lowered:
0x8: {  	[smem:$0x3FA3] =	sst s0  }
0x9: {  	[smem:$0x3FA4] =	sst s1  }
0xa: {  	[smem:$0x3FA5] =	sst s2  }
0xb: {  	[smem:$0x3FA6] =	sst s3  }
0xc: {  	[smem:$0x3FA7] =	sst s4  }
0xd: {  	[smem:$0x3FA8] =	sst s5  }
0xe: {  	[smem:$0x3FA9] =	sst s6  }
0xf: {  	[smem:$0x3FAA] =	sst s7  }
0x10: {  	[smem:$0x3FAB] =	sst s8  }
0x11: {  	[smem:$0x3FAC] =	sst s9;
	s0 =	simm.s32 @!p0 $0x0  }
0x12: {  	s1 =	sld [smem:$0x3F92];
	s0 =	simm.s32 @p0 $0x1  }
0x13: {  	[smem:$0x3FAD] =	sst s0;
	s0 =	simm.s32 @!p1 $0x0  }
0x14: {  	s2 =	sld [smem:$0x3F91];
	s0 =	simm.s32 @p1 $0x1  }
0x15: {  	[smem:$0x3FAE] =	sst s0;
	s0 =	simm.s32 @!p2 $0x0  }
0x16: {  	s3 =	sld [smem:$0x3FDB];
	s0 =	simm.s32 @p2 $0x1  }
0x17: {  	s4 =	simm.s32 $0x1BF5;
	[smem:$0x3FB0] =	sst s0  }
0x18: {  	s0 =	sld [smem:$0x3F93];
	_ =	swait.ge [sflag:s4], $0x0  }
0x19: {  	s7 =	sld [smem:$0x3F94]  }
0x1a: {  	s8 =	sadd.s32 $0xFFFFE003, lr  }
0x1b: {  	s9 =	sadd.s32 $0xFFFFFEF7, lr;
	s5 =	simm.s32 $0xFFFFFFFF;
	p2 =	slt.u32 s8, $0xFFFFF086  }
0x1c: {  	p1 =	slt.u32 s9, $0xF7A;
	s5 =	simm.s32 @!p2 $0x0  }
0x1d: {  	s5 =	simm.s32 @p1 $0x1;
	p0 =	seq.s32 s7, s2  }
0x1e: {  	s7 =	smul.u32 @!p0 $0xF7A, s2;
	p2 =	seq.s32 @!p0 s5, $0x0  }
0x1f: {  	s9 =	smul.u32 $0xF7A, s1;
	s8 =	simm.s32 @!p0 $0x1BF5;
	p2 =	por !p2, p0  }
0x20: {  	[sflag:s8] =	ssyncset.s32 @!p0 $0xFFFFF086;
	s6 =	sadd.s32 @!p0 s3, s7;
	s7 =	simm.s32 @!p0 $0x108  }
0x21: {  	s3 =	sadd.s32 s3, s9;
	s6 =	sadd.s32 @!p0 $0x88, s6;
	s7 =	simm.s32 @p2 $0x1082  }
0x22: {  	[simem:s7], [sflag:s8] =	dma.local @!p0 [hbm:s6], $0xF7A  }
0x23: {  	s9 =	sor.u32 $0xD0000000, s2;
	s6 =	simm.s32 $0x108;
	_ =	swait.ge @!p0 [sflag:s8], $0x0  }
0x24: {  	s3 =	sadd.s32 $0x88, s3;
	s6 =	simm.s32 @!p1 $0x1082;
	[sflag:s4] =	ssyncset.s32 $0xFFFFF086  }
0x25: {  	[simem:s6], [sflag:s4] =	dma.local [hbm:s3], $0xF7A  }
0x26: {  	[smem:$0x3F94] =	sst s1;
	(tag) =	ssettag s2;
	_ =	strace s9  }
0x27: {  	s1 =	sld [smem:$0x3FA4]  }
0x28: {  	s2 =	sld [smem:$0x3FA5]  }
0x29: {  	s4 =	sld [smem:$0x3FA7]  }
0x2a: {  	p0 =	seq.s32 s5, $0x0;
	s5 =	sld [smem:$0x3FA8]  }
0x2b: {  	s6 =	sld [smem:$0x3FA9]  }
0x2c: {  	s7 =	sld [smem:$0x3FAA]  }
0x2d: {  	s3 =	simm.s32 $0x108;
	s8 =	sld [smem:$0x3FAB]  }
0x2e: {  	s3 =	simm.s32 @!p0 $0x1082;
	s9 =	sld [smem:$0x3FAC]  }
0x2f: {  	lr =	sadd.s32 s0, s3;
	s0 =	sld [smem:$0x3FA3]  }
0x30: {  	s3 =	sld [smem:$0x3FA6]  }
0x31: {  	[smem:$0x3FAF] =	sst s10  }
0x32: {  	s10 =	sld [smem:$0x3FAD];
	_ =	sdelay $0x3  }
0x33: {  	p0 =	seq.s32 s10, $0x1;
	s10 =	sld [smem:$0x3FAF];
	_ =	sdelay $0x3  }
0x34: {  	[smem:$0x3FAF] =	sst s10  }
0x35: {  	s10 =	sld [smem:$0x3FAE];
	_ =	sdelay $0x3  }
0x36: {  	p1 =	seq.s32 s10, $0x1;
	s10 =	sld [smem:$0x3FAF];
	_ =	sdelay $0x3  }
0x37: {  	[smem:$0x3FAF] =	sst s10  }
0x38: {  	s10 =	sld [smem:$0x3FB0]  }
0x39: {  	_ = 	snop;
	(pc) =	sbr.ind lr, $3  }
0x3a: {  	_ = 	snop  }
0x3b: {  	_ = 	snop  }
0x3c: {  	p2 =	seq.s32 s10, $0x1;
	s10 =	sld [smem:$0x3FAF]  }
0x3d: {  	_ =	shalt  }
0x3e: {  	_ =	shalt  }
0x3f: {  	_ =	shalt  }
0x40: {  	_ =	shalt  }
0x41: {  	_ =	shalt  }
0x42: {  	_ =	shalt  }
0x43: {  	_ =	shalt  }
0x44: {  	_ =	shalt  }
0x45: {  	_ =	shalt  }
0x46: {  	_ =	shalt  }
0x47: {  	_ =	shalt  }
0x48: {  	_ =	shalt  }
0x49: {  	_ =	shalt  }
0x4a: {  	_ =	shalt  }
0x4b: {  	_ =	shalt  }
0x4c: {  	_ =	shalt  }
0x4d: {  	_ =	shalt  }
0x4e: {  	_ =	shalt  }
0x4f: {  	_ =	shalt  }
0x50: {  	_ =	shalt  }
0x51: {  	_ =	shalt  }
0x52: {  	_ =	shalt  }
0x53: {  	_ =	shalt  }
0x54: {  	_ =	shalt  }
0x55: {  	_ =	shalt  }
0x56: {  	_ =	shalt  }
0x57: {  	_ =	shalt  }
0x58: {  	_ =	shalt  }
0x59: {  	_ =	shalt  }
0x5a: {  	_ =	shalt  }
0x5b: {  	_ =	shalt  }
0x5c: {  	_ =	shalt  }
0x5d: {  	_ =	shalt  }
0x5e: {  	_ =	shalt  }
0x5f: {  	_ =	shalt  }
0x60: {  	_ =	shalt  }
0x61: {  	_ =	shalt  }
0x62: {  	_ =	shalt  }
0x63: {  	_ =	shalt  }
0x64: {  	_ =	shalt  }
0x65: {  	_ =	shalt  }
0x66: {  	_ =	shalt  }
0x67: {  	_ =	shalt  }
0x68: {  	_ =	shalt  }
0x69: {  	_ =	shalt  }
0x6a: {  	_ =	shalt  }
0x6b: {  	_ =	shalt  }
0x6c: {  	_ =	shalt  }
0x6d: {  	_ =	shalt  }
0x6e: {  	_ =	shalt  }
0x6f: {  	_ =	shalt  }
0x70: {  	_ =	shalt  }
0x71: {  	_ =	shalt  }
0x72: {  	_ =	shalt  }
0x73: {  	_ =	shalt  }
0x74: {  	_ =	shalt  }
0x75: {  	_ =	shalt  }
0x76: {  	_ =	shalt  }
0x77: {  	_ =	shalt  }
0x78: {  	_ =	shalt  }
0x79: {  	_ =	shalt  }
0x7a: {  	_ =	shalt  }
0x7b: {  	_ =	shalt  }
0x7c: {  	_ =	shalt  }
0x7d: {  	_ =	shalt  }
0x7e: {  	_ =	shalt  }
0x7f: {  	_ =	shalt  }
0x80: {  	_ =	shalt  }
0x81: {  	_ =	shalt  }
0x82: {  	_ =	shalt  }
0x83: {  	_ =	shalt  }
0x84: {  	_ =	shalt  }
0x85: {  	_ =	shalt  }
0x86: {  	_ =	shalt  }
0x87: {  	_ =	shalt  }
.Lfunc_end0:
.L_simem_size_0:
called_computation_lowered:
.L_overlay_start_0:
0x88: {  	s2 =	sld [smem:$0x3FD9]  }
0x89: {  	s3 =	sld [smem:$0x3FFE];
	_ =	sdelay $0x1  }
0x8a: {  	s1 =	srdreg.scid  }
0x8b: {  	s0 =	sand.u32 $0x1, s1  }
0x8c: {  	s14 =	sshll.u32 s0, $0xA;
	s2 =	sadd.s32 s3, s2  }
0x8d: {  	s2 =	sadd.s32 s2, s14  }
0x8e: {  	[smem:$0x3FBB] =	sst s2  }
0x8f: {  	_ = 	snop  }
0x90: {  	s2 =	sld [smem:$0x3FD0];
	_ =	sdelay $0x2  }
0x91: {  	s15 =	simm.s32 $0xA;
	s4 =	simm.s32 $0x10  }
0x92: {  	[smem:s4], [sflag:s15] =	dma.local [hbm:s2], $0x1  }
0x93: {  	_ =	swait.eq [sflag:s15], $0x1  }
0x94: {  	[sflag:s15] =	ssyncset.done $0x0  }
0x95: {  	[sflag:s15] =	ssyncadd.s32 $0xFFFFFFFF  }
0x96: {  	s16 =	sld [smem:$0x11];
	(tm) =	ssettm $0x1  }
0x97: {  	s17 =	sld [smem:$0x3FFB];
	_ =	sdelay $0x3  }
0x98: {  	_ =	strace s17  }
0x99: {  	s3 =	sld [smem:$0x3FFC];
	_ =	sdelay $0x3  }
0x9a: {  	_ =	strace s3  }
0x9b: {  	s3 =	sld [smem:$0x3FFD];
	_ =	sdelay $0x3  }
0x9c: {  	_ =	strace s3  }
0x9d: {  	_ =	strace $0x8FFFFFFF  }
0x9e: {  	s18 =	sld [smem:$0x3FDB];
	_ =	sdelay $0x1  }
0x9f: {  	s19 =	simm.s32 $_scs_section_size  }
0xa0: {  	s5 =	simm.s32 $_size__tile_overlayer_lowered;
	s6 =	simm.s32 $_tile_overlayer_lowered  }
0xa1: {  	s22 =	simm.s32 $0x1BFF;
	s21 =	sshll.u32 s6, $0x1;
	s3 =	sadd.s32 s19, s18  }
0xa2: {  	s7 =	simm.s32 $0x0;
	s20 =	sshll.u32 s5, $0x1;
	s5 =	sadd.s32 s21, s3  }
0xa3: {  	[timem:s7], [sflag:s22] =	dma.local [hbm:s5], s20  }
0xa4: {  	_ =	swait.ge [sflag:s22], s20  }
0xa5: {  	s4 =	ssub.s32 $0x0, s20;
	[sflag:s22] =	ssyncset.done $0x0  }
0xa6: {  	[sflag:s22] =	ssyncadd.s32 s4;
	_ =	sdelay $0x1  }
0xa7: {  	s23 =	simm.s32 $0x1B8B  }
0xa8: {  	_ =	swait.ge [sflag:s23], $0x1  }
0xa9: {  	[sflag:s23] =	ssyncset.done $0x0  }
0xaa: {  	s25 =	simm.s32 $0x1B8E;
	s24 =	sld [smem:$0x3FFE];
	[sflag:s23] =	ssyncadd.s32 $0xFFFFFFFF  }
0xab: {  	s26 =	simm.s32 $execute0_lowered;
	[smem:$0x3FD2] =	sst s25  }
0xac: {  	s5 =	sshll.u32 s26, $0x1;
	_ =	strace $0x80000046;
	[dreg:$0x1] =	wrdreg $0xFFFFFFFF  }
0xad: {  	s28 =	simm.s32 $_size_execute0_lowered;
	s3 =	sadd.s32 s3, s5;
	[dreg:$0x0] =	wrdreg $0x0  }
0xae: {  	s5 =	sshll.u32 s28, $0x1;
	[dreg:$0x2] =	wrdreg s3  }
0xaf: {  	[dreg:$0x3] =	wrdreg s5  }
0xb0: {  	[dreg:$0x4] =	wrdreg $0xC0  }
0xb1: {  	_ =	task [dreg:s7], $0x5FFFF  }
0xb2: {  	[dreg:$0x1] =	wrdreg $0xFFFFFFFF  }
0xb3: {  	[dreg:$0x0] =	wrdreg $0x60  }
0xb4: {  	[dreg:$0x2] =	wrdreg s16  }
0xb5: {  	[dreg:$0x3] =	wrdreg s24  }
0xb6: {  	[dreg:$0x4] =	wrdreg $0xA4000  }
0xb7: {  	[dreg:$0x5] =	wrdreg $0x9  }
0xb8: {  	_ =	task.clear_ibuf [dreg:s7], $0x6FFFF;
	_ =	strace $0x90000046  }
0xb9: {  	s29 =	simm.s32 $0x9;
	_ =	strace $0x80000048  }
0xba: {  	_ =	swait.ge [sflag:s29], $0x1  }
0xbb: {  	[sflag:s29] =	ssyncadd.s32 $0xFFFFFFFF  }
0xbc: {  	_ =	strace $0x90000048  }
0xbd: {  	_ =	sfence  }
0xbe: {  	s30 =	sld [smem:$0x0];
	_ =	sdelay $0x2  }
0xbf: {  	s31 =	sshll.u32 s1, $0xD;
	s1 =	sshrl.u32 s1, $0x2  }
0xc0: {  	s3 =	sand.u32 $0x4000, s31;
	s1 =	sadd.s32 s1, s30  }
0xc1: {  	s0 =	sor.u32 s3, s0;
	s1 =	sshll.u32 s1, $0x11  }
0xc2: {  	s0 =	sor.u32 s1, s0  }
0xc3: {  	s0 =	sadd.s32 $0x8F2B, s0  }
0xc4: {  	[sflag:s0] =	ssyncadd.remote.s32 $0x1  }
0xc5: {  	_ =	sfence.sel $0xFFFF  }
0xc6: {  	[dreg:$0x0] =	wrdreg $0xFFFFFFFF;
	(pc) =	sbr.abs _section_cstart, $3  }
0xc7: {  	[dreg:$0x1] =	wrdreg $0xFFFFFFFF  }
0xc8: {  	_ =	task.clear_ibuf [dreg:s7], $0x2FFFF;
	_ =	strace $0x9FFFFFFF  }
0xc9: {  	(tm) =	ssettm $0x7FFFFFFF  }
tec
execute0_lowered:
.L_overlay_start_1:
0x0: {  	(tag) =	ssettag $0x1  }
0x1: {  	s1 =	rddreg [dreg:$0x0]  }
0x2: {  	s0 =	rddreg [dreg:$0x1]  }
0x3: {  	s2 =	rddreg [dreg:$0x2];
	s3 =	simm.s32 $0x0  }
0x4: {  	s4 =	srdreg.scid;
	s13 =	stileid.u32;
	s29 =	simm.s32 $0x2  }
0x5: {  	s30 =	simm.s32 $0xA;
	s31 =	simm.s32 $0x280;
	[smem:$0x7FF] =	sst s3  }
0x6: {  	s5 =	sadd.s32 $0x11C00, s0;
	s4 =	sand.u32 $0x1, s4;
	s6 =	sadd.s32 $0x1C00, s0  }
0x7: {  	s7 =	sshll.u32 s13, $0xF;
	s0 =	sadd.s32 $0x21C00, s0;
	s12 =	smul.u32 $0x14000, s13  }
0x8: {  	s17 =	smul.u32 $0x50000, s13;
	_ =	strace $0x80000047;
	s8 =	sshll.u32 s4, $0xE  }
0x9: {  	s9 =	ssub.s32 $0x2, s4;
	s4 =	smul.u32 $0x140000, s4;
	s7 =	sor.u32 s8, s7  }
0xa: {  	s25 =	sshrl.u32 s9, $0x1;
	s18 =	sadd.s32 $0x4000, s12;
	s20 =	sshrl.u32 s17, $0x2  }
0xb: {  	s22 =	sadd.s32 $0x8000, s12;
	s24 =	sadd.s32 $0xC000, s12;
	s10 =	sshrl.u32 s7, $0x3  }
0xc: {  	s8 =	ssub.s32 s9, s25;
	s16 =	sadd.s32 s4, s12;
	s19 =	sadd.s32 s4, s18  }
0xd: {  	s23 =	sadd.s32 s4, s22;
	s25 =	sadd.s32 $0x10000, s12;
	s14 =	sadd.s32 s5, s10  }
0xe: {  	s12 =	sadd.s32 s18, s2;
	s15 =	sadd.s32 s6, s10;
	[dreg:$0x4] =	wrdreg s14  }
0xf: {  	s13 =	sadd.s32 s22, s2;
	s8 =	smax.u32 s8, $0x1;
	[dreg:$0x8] =	wrdreg s15  }
0x10: {  	s11 =	sor.u32 $0x10, s10;
	s17 =	sshrl.u32 s13, $0x3;
	[dreg:$0xb] =	wrdreg s8  }
0x11: {  	s9 =	sshrl.u32 s16, $0x3;
	s26 =	sadd.s32 s5, s11;
	[dreg:$0x13] =	wrdreg s17  }
0x12: {  	s16 =	sadd.s32 s25, s2;
	s28 =	sadd.s32 $0x20, s14;
	[dreg:$0x5] =	wrdreg s26  }
0x13: {  	s10 =	simm.s32 $0xD;
	s14 =	sadd.s32 $0x30, s14;
	[dreg:$0x6] =	wrdreg s28  }
0x14: {  	s13 =	simm.s32 $0x0;
	s11 =	sadd.s32 s6, s11;
	[dreg:$0x7] =	wrdreg s14  }
0x15: {  	s9 =	sadd.s32 s0, s9;
	s15 =	sadd.s32 s24, s2;
	[dreg:$0x9] =	wrdreg s11  }
0x16: {  	s17 =	simm.s32 $0x180;
	s8 =	simm.s32 $0x5;
	[dreg:$0xa] =	wrdreg s9  }
0x17: {  	s9 =	sshrl.u32 s19, $0x3;
	s14 =	sadd.s32 s20, s2;
	s18 =	sshrl.u32 s15, $0x3  }
0x18: {  	s26 =	sadd.s32 s4, s24;
	s19 =	sshrl.u32 s16, $0x3;
	[dreg:$0x14] =	wrdreg s18  }
0x19: {  	s4 =	sadd.s32 s4, s25;
	s15 =	simm.s32 $0x400;
	[dreg:$0x15] =	wrdreg s19  }
0x1a: {  	s16 =	simm.s32 $0xC;
	s21 =	sadd.s32 s0, s9;
	[dreg:$0xc] =	wrdreg s14  }
0x1b: {  	s9 =	sshrl.u32 s23, $0x3;
	s20 =	sadd.s32 $0x4000, s14;
	[dreg:$0xd] =	wrdreg s21  }
0x1c: {  	s28 =	sshrl.u32 s26, $0x3;
	s22 =	sadd.s32 $0x8000, s14;
	[dreg:$0x16] =	wrdreg s20  }
0x1d: {  	s4 =	sshrl.u32 s4, $0x3;
	s23 =	sadd.s32 $0xA000, s14;
	[dreg:$0x18] =	wrdreg s22  }
0x1e: {  	s24 =	sadd.s32 $0xC000, s14;
	s25 =	sadd.s32 $0xE000, s14;
	[dreg:$0x19] =	wrdreg s23  }
0x1f: {  	s26 =	sadd.s32 $0x10000, s14;
	s19 =	simm.s32 $0x11;
	[dreg:$0x1a] =	wrdreg s24  }
0x20: {  	s18 =	simm.s32 $0x50;
	s9 =	sadd.s32 s0, s9;
	[dreg:$0x1b] =	wrdreg s25  }
0x21: {  	s21 =	sadd.s32 $0x6000, s14;
	[dreg:$0x1c] =	wrdreg s26;
	s24 =	simm.s32 $0x1  }
0x22: {  	s26 =	simm.s32 $0x9;
	s20 =	simm.s32 $0xF;
	[dreg:$0xe] =	wrdreg s9  }
0x23: {  	s25 =	simm.s32 $0x380;
	s9 =	sadd.s32 s0, s28;
	[dreg:$0x17] =	wrdreg s21  }
.Ltmp0:
0x24: {  	s0 =	sadd.s32 s0, s4;
	[dreg:$0xf] =	wrdreg s9;
	(pc) =	sbr.rel .LBB2_1-.Ltmp0, $4  }
0x25: {  	s28 =	sadd.s32 $0x12000, s14;
	s21 =	simm.s32 $0x200;
	[dreg:$0x10] =	wrdreg s0  }
0x26: {  	s4 =	simm.s32 $0xE;
	s9 =	sadd.s32 $0x2000, s14;
	[dreg:$0x1d] =	wrdreg s28  }
0x27: {  	s0 =	sshrl.u32 s12, $0x3;
	s12 =	simm.s32 $0x80;
	[dreg:$0x11] =	wrdreg s9  }
0x28: {  	v0 =	vimm.f32 $0.0e+00;
	[dreg:$0x12] =	wrdreg s0;
	s0 =	simm.s32 $0x3;
	s9 =	simm.s32 $0x4  }
.LBB2_6:
0x29: {  	_ =	swait.ge [sflag:s16], $0x80  }
0x2a: {  	[sflag:s16] =	ssyncset.done $0x0  }
0x2b: {  	[sflag:s16] =	ssyncadd.s32 $0xFFFFFF80  }
0x2c: {  	[spmem:s2] =	stream.indirect.scatter.add.f32 [tilespmem:s22], [sflag:$0x10], $0x80, s25, s18, $0xb8;
	[tilespmem:$0x1E400] =	vst v63  }
0x2d: {  	_ =	swait.ge [sflag:s24], $0x2800  }
0x2e: {  	[sflag:s24] =	ssyncset.done $0x0  }
0x2f: {  	s11 =	simm.s32 $0x10;
	[sflag:s24] =	ssyncadd.s32 $0xFFFFD800  }
0x30: {  	_ =	swait.ge [sflag:s11], $0x2800  }
0x31: {  	[sflag:s11] =	ssyncset.done $0x0  }
0x32: {  	[sflag:s11] =	ssyncadd.s32 $0xFFFFD800  }
0x33: {  	_ =	swait.ge [sflag:s26], $0x80  }
0x34: {  	[sflag:s26] =	ssyncset.done $0x0  }
0x35: {  	[sflag:s26] =	ssyncadd.s32 $0xFFFFFF80  }
0x36: {  	[spmem:s2] =	stream.indirect.scatter.add.f32 [tilespmem:s15], [sflag:$0xD], $0x80, s21, s18, $0xb8;
	[tilespmem:$0x1E400] =	vst v63  }
0x37: {  	_ =	swait.ge [sflag:s10], $0x2800  }
0x38: {  	[sflag:s10] =	ssyncset.done $0x0  }
0x39: {  	[sflag:s10] =	ssyncadd.s32 $0xFFFFD800  }
0x3a: {  	s22 =	stileid.u32;
	[bflag:$0x0] =	sbarrier.arrive $0xFFFF  }
0x3b: {  	s19 =	simm.s32 $0x11;
	s11 =	sshll.u32 s22, $0x6;
	s14 =	rddreg [dreg:$0xc]  }
0x3c: {  	s11 =	sor.u32 $0x1C11, s11;
	s13 =	rddreg [dreg:$0xa];
	s12 =	sshrl.u32 s14, $0x3  }
0x3d: {  	[hbm:s13], [sflag:s11] =	dma.local [spmem:s12], $0x800  }
0x3e: {  	_ =	swait.ge [sflag:s19], $0x800  }
0x3f: {  	[sflag:s19] =	ssyncset.done $0x0;
	s23 =	rddreg [dreg:$0xd]  }
0x40: {  	s28 =	rddreg [dreg:$0x12];
	[sflag:s19] =	ssyncadd.s32 $0xFFFFF800  }
0x41: {  	[hbm:s23], [sflag:s11] =	dma.local [spmem:s28], $0x800  }
0x42: {  	_ =	swait.ge [sflag:s19], $0x800  }
0x43: {  	[sflag:s19] =	ssyncset.done $0x0;
	s17 =	rddreg [dreg:$0xe]  }
0x44: {  	s22 =	rddreg [dreg:$0x13];
	[sflag:s19] =	ssyncadd.s32 $0xFFFFF800  }
0x45: {  	[hbm:s17], [sflag:s11] =	dma.local [spmem:s22], $0x800  }
0x46: {  	_ =	swait.ge [sflag:s19], $0x800  }
0x47: {  	[sflag:s19] =	ssyncset.done $0x0;
	s23 =	rddreg [dreg:$0xf]  }
0x48: {  	s28 =	rddreg [dreg:$0x14];
	[sflag:s19] =	ssyncadd.s32 $0xFFFFF800  }
0x49: {  	[hbm:s23], [sflag:s11] =	dma.local [spmem:s28], $0x800  }
0x4a: {  	_ =	swait.ge [sflag:s19], $0x800  }
0x4b: {  	[sflag:s19] =	ssyncset.done $0x0;
	s17 =	rddreg [dreg:$0x10]  }
0x4c: {  	s22 =	rddreg [dreg:$0x15];
	[sflag:s19] =	ssyncadd.s32 $0xFFFFF800  }
0x4d: {  	[hbm:s17], [sflag:s11] =	dma.local [spmem:s22], $0x800  }
0x4e: {  	_ =	swait.ge [sflag:s19], $0x800  }
0x4f: {  	s23 =	rddreg [dreg:$0x1e]  }
0x50: {  	s28 =	rddreg [dreg:$0xb];
	s13 =	sadd.s32 $0x1, s23  }
0x51: {  	p0 =	sne.s32 s13, s28  }
.Ltmp1:
0x52: {  	_ = 	snop;
	(pc) =	sbr.rel @!p0 .LBB2_7-.Ltmp1, $3  }
0x53: {  	_ =	sdelay $0x1  }
0x54: {  	[sflag:s19] =	ssyncset.done $0x0  }
0x55: {  	s12 =	simm.s32 $0x80;
	s17 =	simm.s32 $0x180;
	[sflag:s19] =	ssyncadd.s32 $0xFFFFF800  }
.LBB2_1:
0x56: {  	[dreg:$0x1e] =	wrdreg s13  }
0x57: {  	s11 =	rddreg [dreg:$0x4]  }
0x58: {  	[tilespmem:s3], [sflag:$0x5] =	stream.linear.gather [hbm4b:s11+s3], $0x80, $0x38;
	[tilespmem:$0x1E400] =	vst v63  }
0x59: {  	s23 =	rddreg [dreg:$0x5]  }
0x5a: {  	[tilespmem:s12], [sflag:$0x6] =	stream.linear.gather [hbm4b:s23+s3], $0x80, $0x38;
	[tilespmem:$0x1E400] =	vst v63  }
0x5b: {  	s13 =	rddreg [dreg:$0x6];
	s22 =	simm.s32 $0x100  }
0x5c: {  	[tilespmem:s22], [sflag:$0x7] =	stream.linear.gather [hbm4b:s13+s3], $0x80, $0x38;
	[tilespmem:$0x1E400] =	vst v63  }
0x5d: {  	s23 =	rddreg [dreg:$0x7];
	s22 =	sand.u32 $0xFE00, s3  }
0x5e: {  	[tilespmem:s17], [sflag:$0x8] =	stream.linear.gather [hbm4b:s23+s3], $0x80, $0x38;
	[tilespmem:$0x1E400] =	vst v63  }
0x5f: {  	s28 =	sshrl.u32 s22, $0x2;
	s23 =	sand.u32 $0x70, s3  }
0x60: {  	s11 =	simm.s32 $0x40;
	s13 =	rddreg [dreg:$0x8];
	s28 =	sor.u32 s23, s28  }
0x61: {  	[tilespmem:s21], [sflag:$0x9] =	stream.linear.gather [hbm4b:s13+s3], $0x80, $0x38;
	[tilespmem:$0x1E400] =	vst v63  }
0x62: {  	s23 =	simm.s32 $0x0;
	s21 =	rddreg [dreg:$0x9];
	s13 =	simm.s32 $0x280  }
0x63: {  	[tilespmem:s13], [sflag:$0xA] =	stream.linear.gather [hbm4b:s21+s3], $0x80, $0x38;
	[tilespmem:$0x1E400] =	vst v63  }
.LBB2_2:
0x64: {  	p0 =	sne.s32 s11, $0x9FC0  }
0x65: {  	[tilespmem:s28+$0x7C00] =	vst v0;
	s23 =	sadd.s32 $0x10, s23;
	s28 =	smov.u32 s11;
	s11 =	sadd.s32 $0x40, s11  }
.Ltmp2:
0x66: {  	(pc) =	sbr.rel @p0 .LBB2_2-.Ltmp2, $4  }
0x67: {  	_ = 	snop  }
0x68: {  	s28 =	sand.u32 $0xFE00, s28  }
0x69: {  	s21 =	sand.u32 $0x70, s23;
	s28 =	sshrl.u32 s28, $0x2  }
0x6a: {  	s28 =	sor.u32 s21, s28  }
0x6b: {  	[tilespmem:s28+$0x7C00] =	vst v0;
	s22 =	simm.s32 $0x7C00  }
0x6c: {  	[spmem:s14] =	stream.linear.scatter [tilespmem:s22], [sflag:$0x11], $0x2000, $0x38;
	[tilespmem:$0x1E400] =	vst v63  }
0x6d: {  	_ =	swait.ge [sflag:s19], $0x2000  }
0x6e: {  	[sflag:s19] =	ssyncset.done $0x0  }
0x6f: {  	s11 =	rddreg [dreg:$0x11];
	[sflag:s19] =	ssyncadd.s32 $0xFFFFE000  }
0x70: {  	[spmem:s11] =	stream.linear.scatter [tilespmem:s22], [sflag:$0x11], $0x2000, $0x38;
	[tilespmem:$0x1E400] =	vst v63  }
0x71: {  	_ =	swait.ge [sflag:s19], $0x2000  }
0x72: {  	[sflag:s19] =	ssyncset.done $0x0  }
0x73: {  	s14 =	rddreg [dreg:$0x16];
	[sflag:s19] =	ssyncadd.s32 $0xFFFFE000  }
0x74: {  	[spmem:s14] =	stream.linear.scatter [tilespmem:s22], [sflag:$0x11], $0x2000, $0x38;
	[tilespmem:$0x1E400] =	vst v63  }
0x75: {  	_ =	swait.ge [sflag:s19], $0x2000  }
0x76: {  	[sflag:s19] =	ssyncset.done $0x0  }
0x77: {  	s21 =	rddreg [dreg:$0x17];
	[sflag:s19] =	ssyncadd.s32 $0xFFFFE000  }
0x78: {  	[spmem:s21] =	stream.linear.scatter [tilespmem:s22], [sflag:$0x11], $0x2000, $0x38;
	[tilespmem:$0x1E400] =	vst v63  }
0x79: {  	_ =	swait.ge [sflag:s19], $0x2000  }
0x7a: {  	[sflag:s19] =	ssyncset.done $0x0  }
0x7b: {  	s23 =	rddreg [dreg:$0x18];
	[sflag:s19] =	ssyncadd.s32 $0xFFFFE000  }
0x7c: {  	[spmem:s23] =	stream.linear.scatter [tilespmem:s22], [sflag:$0x11], $0x2000, $0x38;
	[tilespmem:$0x1E400] =	vst v63  }
0x7d: {  	_ =	swait.ge [sflag:s19], $0x2000  }
0x7e: {  	[sflag:s19] =	ssyncset.done $0x0  }
0x7f: {  	s28 =	rddreg [dreg:$0x19];
	[sflag:s19] =	ssyncadd.s32 $0xFFFFE000  }
0x80: {  	[spmem:s28] =	stream.linear.scatter [tilespmem:s22], [sflag:$0x11], $0x2000, $0x38;
	[tilespmem:$0x1E400] =	vst v63  }
0x81: {  	_ =	swait.ge [sflag:s19], $0x2000  }
0x82: {  	[sflag:s19] =	ssyncset.done $0x0  }
0x83: {  	s14 =	rddreg [dreg:$0x1a];
	[sflag:s19] =	ssyncadd.s32 $0xFFFFE000  }
0x84: {  	[spmem:s14] =	stream.linear.scatter [tilespmem:s22], [sflag:$0x11], $0x2000, $0x38;
	[tilespmem:$0x1E400] =	vst v63  }
0x85: {  	_ =	swait.ge [sflag:s19], $0x2000  }
0x86: {  	[sflag:s19] =	ssyncset.done $0x0  }
0x87: {  	s21 =	rddreg [dreg:$0x1b];
	[sflag:s19] =	ssyncadd.s32 $0xFFFFE000  }
0x88: {  	[spmem:s21] =	stream.linear.scatter [tilespmem:s22], [sflag:$0x11], $0x2000, $0x38;
	[tilespmem:$0x1E400] =	vst v63  }
0x89: {  	_ =	swait.ge [sflag:s19], $0x2000  }
0x8a: {  	[sflag:s19] =	ssyncset.done $0x0  }
0x8b: {  	s23 =	rddreg [dreg:$0x1c];
	[sflag:s19] =	ssyncadd.s32 $0xFFFFE000  }
0x8c: {  	[spmem:s23] =	stream.linear.scatter [tilespmem:s22], [sflag:$0x11], $0x2000, $0x38;
	[tilespmem:$0x1E400] =	vst v63  }
0x8d: {  	_ =	swait.ge [sflag:s19], $0x2000  }
0x8e: {  	[sflag:s19] =	ssyncset.done $0x0  }
0x8f: {  	s28 =	rddreg [dreg:$0x1d];
	[sflag:s19] =	ssyncadd.s32 $0xFFFFE000  }
0x90: {  	[spmem:s28] =	stream.linear.scatter [tilespmem:s22], [sflag:$0x11], $0x2000, $0x38;
	[tilespmem:$0x1E400] =	vst v63  }
0x91: {  	_ =	swait.ge [sflag:s19], $0x2000  }
0x92: {  	[sflag:s19] =	ssyncset.done $0x0  }
0x93: {  	[sflag:s19] =	ssyncadd.s32 $0xFFFFE000  }
0x94: {  	_ =	swait.ge [sflag:s8], $0x80  }
0x95: {  	[sflag:s8] =	ssyncset.done $0x0  }
0x96: {  	s14 =	simm.s32 $0x6;
	s23 =	simm.s32 $0x0;
	[sflag:s8] =	ssyncadd.s32 $0xFFFFFF80  }
0x97: {  	[tilespmem:s15], [sflag:$0x1] =	stream.indirect.gather [hbm4b:s1+s18], $0x80, s23, s18, $0xb8;
	[tilespmem:$0x1E400] =	vst v63  }
0x98: {  	_ =	swait.ge [sflag:s14], $0x80  }
0x99: {  	[sflag:s14] =	ssyncset.done $0x0  }
0x9a: {  	s19 =	simm.s32 $0x7;
	s15 =	simm.s32 $0x2C00;
	[sflag:s14] =	ssyncadd.s32 $0xFFFFFF80  }
0x9b: {  	[tilespmem:s15], [sflag:$0x2] =	stream.indirect.gather [hbm4b:s1+s18], $0x80, s12, s18, $0xb8;
	[tilespmem:$0x1E400] =	vst v63  }
0x9c: {  	_ =	swait.ge [sflag:s19], $0x80  }
0x9d: {  	[sflag:s19] =	ssyncset.done $0x0  }
0x9e: {  	s21 =	simm.s32 $0x100;
	s28 =	simm.s32 $0x5400;
	[sflag:s19] =	ssyncadd.s32 $0xFFFFFF80  }
0x9f: {  	[tilespmem:s28], [sflag:$0x3] =	stream.indirect.gather [hbm4b:s1+s18], $0x80, s21, s18, $0xb8;
	[tilespmem:$0x1E400] =	vst v63  }
0xa0: {  	s21 =	simm.s32 $0x200;
	[bflag:$0x0] =	sbarrier.arrive $0xFFFF  }
.LBB2_4:
0xa1: {  	_ =	swait.ge [sflag:s24], $0x2800  }
0xa2: {  	p1 =	seq.s32 s23, $0x0;
	[sflag:s24] =	ssyncset.done $0x0  }
0xa3: {  	s11 =	simm.s32 @!p1 $0x10;
	[sflag:s24] =	ssyncadd.s32 $0xFFFFD800  }
0xa4: {  	_ =	swait.ge @!p1 [sflag:s11], $0x2800  }
0xa5: {  	[sflag:s11] =	ssyncset.done @!p1 $0x0  }
0xa6: {  	s14 =	simm.s32 $0x8;
	[sflag:s11] =	ssyncadd.s32 @!p1 $0xFFFFD800  }
0xa7: {  	_ =	swait.ge [sflag:s14], $0x80  }
0xa8: {  	[sflag:s14] =	ssyncset.done $0x0  }
0xa9: {  	s11 =	smov.u32 s23;
	[sflag:s14] =	ssyncadd.s32 $0xFFFFFF80  }
0xaa: {  	[tilespmem:s22], [sflag:$0x4] =	stream.indirect.gather [hbm4b:s1+s18], $0x80, s17, s18, $0xb8;
	[tilespmem:$0x1E400] =	vst v63  }
0xab: {  	s11 =	simm.s32 @p1 $0x0;
	_ =	swait.ge [sflag:s26], $0x80  }
0xac: {  	s15 =	sadd.s32 $0x200, s11;
	[sflag:s26] =	ssyncset.done $0x0  }
0xad: {  	s14 =	simm.s32 $0x400;
	s28 =	sand.u32 $0x7C00, s15;
	[sflag:s26] =	ssyncadd.s32 $0xFFFFFF80  }
0xae: {  	[spmem:s2] =	stream.indirect.scatter.add.f32 [tilespmem:s14], [sflag:$0xD], $0x80, s21, s18, $0xb8;
	[tilespmem:$0x1E400] =	vst v63  }
0xaf: {  	s28 =	sadd.s32 s7, s28;
	s21 =	sand.u32 $0x200, s15  }
0xb0: {  	s21 =	sor.u32 s21, s28  }
0xb1: {  	s28 =	sshrl.u32 s21, $0x3  }
0xb2: {  	s17 =	sand.u32 @!p1 $0x200, s23;
	s12 =	sadd.s32 s5, s28  }
0xb3: {  	[tilespmem:s3], [sflag:$0x5] =	stream.linear.gather [hbm4b:s12+s3], $0x80, $0x38;
	[tilespmem:$0x1E400] =	vst v63  }
0xb4: {  	s21 =	sor.u32 @!p1 $0x180, s17;
	s17 =	simm.s32 @p1 $0x0;
	s12 =	sand.u32 $0x3C00, s11  }
0xb5: {  	s17 =	sor.u32 s12, s17  }
0xb6: {  	s17 =	sor.u32 s7, s17  }
0xb7: {  	s17 =	sshrl.u32 s17, $0x3  }
0xb8: {  	s17 =	sadd.s32 s17, s6  }
0xb9: {  	s15 =	simm.s32 $0x300;
	s17 =	sadd.s32 $0x20, s17  }
0xba: {  	[tilespmem:s15], [sflag:$0xB] =	stream.linear.gather [hbm4b:s17+s3], $0x80, $0x38;
	[tilespmem:$0x1E400] =	vst v63  }
0xbb: {  	_ =	swait.ge [sflag:s29], $0x2800  }
0xbc: {  	[sflag:s29] =	ssyncset.done $0x0  }
0xbd: {  	[sflag:s29] =	ssyncadd.s32 $0xFFFFD800  }
0xbe: {  	_ =	swait.ge [sflag:s10], $0x2800  }
0xbf: {  	[sflag:s10] =	ssyncset.done $0x0  }
0xc0: {  	[sflag:s10] =	ssyncadd.s32 $0xFFFFD800  }
0xc1: {  	_ =	swait.ge [sflag:s8], $0x80  }
0xc2: {  	[sflag:s8] =	ssyncset.done $0x0  }
0xc3: {  	[sflag:s8] =	ssyncadd.s32 $0xFFFFFF80  }
0xc4: {  	[tilespmem:s14], [sflag:$0x1] =	stream.indirect.gather [hbm4b:s1+s18], $0x80, s3, s18, $0xb8;
	[tilespmem:$0x1E400] =	vst v63  }
0xc5: {  	_ =	swait.ge [sflag:s30], $0x80  }
0xc6: {  	[sflag:s30] =	ssyncset.done $0x0  }
0xc7: {  	p0 =	seq.s32 s23, $0x3C00;
	s17 =	simm.s32 $0x2C00;
	[sflag:s30] =	ssyncadd.s32 $0xFFFFFF80  }
0xc8: {  	[spmem:s2] =	stream.indirect.scatter.add.f32 [tilespmem:s17], [sflag:$0xE], $0x80, s13, s18, $0xb8;
	[tilespmem:$0x1E400] =	vst v63  }
0xc9: {  	s17 =	sadd.s32 @!p0 $0x280, s23  }
0xca: {  	s21 =	simm.s32 @p1 $0x180;
	s14 =	sand.u32 @!p0 $0x7C00, s17  }
0xcb: {  	s12 =	sor.u32 s21, s12;
	s17 =	sand.u32 @!p0 $0x280, s17;
	s14 =	sadd.s32 @!p0 s7, s14  }
0xcc: {  	s12 =	sor.u32 s7, s12;
	s14 =	sor.u32 @!p0 s17, s14  }
0xcd: {  	s12 =	sshrl.u32 s12, $0x3;
	s14 =	sshrl.u32 @!p0 s14, $0x3  }
0xce: {  	s13 =	simm.s32 @!p0 $0x80;
	s17 =	simm.s32 @!p0 $0x0;
	s14 =	sadd.s32 @!p0 s5, s14  }
0xcf: {  	[tilespmem:s13], [sflag:$0x6] =	stream.linear.gather @!p0 [hbm4b:s14+s17], $0x80, $0x38;
	[tilespmem:$0x1E400] =	vst v63  }
0xd0: {  	s12 =	sadd.s32 s6, s12  }
0xd1: {  	[tilespmem:s25], [sflag:$0xC] =	stream.linear.gather [hbm4b:s12+s3], $0x80, $0x38;
	[tilespmem:$0x1E400] =	vst v63  }
0xd2: {  	_ =	swait.ge [sflag:s0], $0x2800  }
0xd3: {  	[sflag:s0] =	ssyncset.done $0x0  }
0xd4: {  	[sflag:s0] =	ssyncadd.s32 $0xFFFFD800  }
0xd5: {  	_ =	swait.ge [sflag:s4], $0x2800  }
0xd6: {  	[sflag:s4] =	ssyncset.done $0x0  }
0xd7: {  	s12 =	simm.s32 @p0 $0xB;
	[sflag:s4] =	ssyncadd.s32 $0xFFFFD800  }
0xd8: {  	_ =	swait.ge @p0 [sflag:s12], $0x80  }
0xd9: {  	s21 =	simm.s32 @p0 $0x5400;
	[sflag:s12] =	ssyncset.done @p0 $0x0  }
0xda: {  	s14 =	simm.s32 @p0 $0x300;
	[sflag:s12] =	ssyncadd.s32 @p0 $0xFFFFFF80;
	s12 =	simm.s32 @p0 $0x50  }
0xdb: {  	[spmem:s2] =	stream.indirect.scatter.add.f32 @p0 [tilespmem:s21], [sflag:$0xF], $0x80, s14, s12, $0xb8;
	[tilespmem:$0x1E400] =	vst v63  }
0xdc: {  	s12 =	simm.s32 @!p0 $0x6  }
0xdd: {  	_ =	swait.ge @!p0 [sflag:s12], $0x80  }
0xde: {  	[sflag:s12] =	ssyncset.done @!p0 $0x0  }
0xdf: {  	s14 =	simm.s32 @!p0 $0x2C00;
	[sflag:s12] =	ssyncadd.s32 @!p0 $0xFFFFFF80;
	s12 =	simm.s32 @!p0 $0x50  }
0xe0: {  	[tilespmem:s14], [sflag:$0x2] =	stream.indirect.gather @!p0 [hbm4b:s1+s12], $0x80, s13, s12, $0xb8;
	[tilespmem:$0x1E400] =	vst v63  }
0xe1: {  	s13 =	simm.s32 @!p0 $0xB  }
0xe2: {  	_ =	swait.ge @!p0 [sflag:s13], $0x80  }
0xe3: {  	[sflag:s13] =	ssyncset.done @!p0 $0x0  }
0xe4: {  	s14 =	simm.s32 @!p0 $0x5400;
	[sflag:s13] =	ssyncadd.s32 @!p0 $0xFFFFFF80;
	s13 =	simm.s32 @!p0 $0x300  }
0xe5: {  	[spmem:s2] =	stream.indirect.scatter.add.f32 @!p0 [tilespmem:s14], [sflag:$0xF], $0x80, s13, s12, $0xb8;
	[tilespmem:$0x1E400] =	vst v63  }
0xe6: {  	s12 =	sadd.s32 @!p0 $0x300, s11  }
0xe7: {  	s13 =	sand.u32 @!p0 $0x7C00, s12  }
0xe8: {  	s12 =	sand.u32 @!p0 $0x300, s12;
	s13 =	sadd.s32 @!p0 s7, s13  }
0xe9: {  	s12 =	sor.u32 @!p0 s12, s13  }
0xea: {  	s12 =	sshrl.u32 @!p0 s12, $0x3  }
0xeb: {  	s13 =	simm.s32 @!p0 $0x100;
	s12 =	sadd.s32 @!p0 s5, s12  }
0xec: {  	[tilespmem:s13], [sflag:$0x7] =	stream.linear.gather @!p0 [hbm4b:s12+s17], $0x80, $0x38;
	[tilespmem:$0x1E400] =	vst v63  }
0xed: {  	s28 =	sadd.s32 s6, s28;
	s21 =	simm.s32 $0x200  }
0xee: {  	[tilespmem:s21], [sflag:$0x9] =	stream.linear.gather [hbm4b:s28+s3], $0x80, $0x38;
	[tilespmem:$0x1E400] =	vst v63  }
0xef: {  	_ =	swait.ge [sflag:s9], $0x2800  }
.Ltmp3:
0xf0: {  	[sflag:s9] =	ssyncset.done $0x0;
	(pc) =	sbr.rel @p0 .LBB2_6-.Ltmp3, $4  }
0xf1: {  	[sflag:s9] =	ssyncadd.s32 $0xFFFFD800  }
0xf2: {  	_ =	swait.ge [sflag:s20], $0x2800  }
0xf3: {  	s19 =	simm.s32 $0x180;
	[sflag:s20] =	ssyncset.done $0x0  }
0xf4: {  	s22 =	simm.s32 $0x7C00;
	s15 =	simm.s32 $0x400;
	[sflag:s20] =	ssyncadd.s32 $0xFFFFD800  }
0xf5: {  	s12 =	simm.s32 $0x7  }
0xf6: {  	_ =	swait.ge [sflag:s12], $0x80  }
0xf7: {  	s15 =	simm.s32 $0x100;
	[sflag:s12] =	ssyncset.done $0x0  }
0xf8: {  	s13 =	simm.s32 $0x5400;
	s11 =	sadd.s32 $0x380, s11;
	[sflag:s12] =	ssyncadd.s32 $0xFFFFFF80  }
0xf9: {  	[tilespmem:s13], [sflag:$0x3] =	stream.indirect.gather [hbm4b:s1+s18], $0x80, s15, s18, $0xb8;
	[tilespmem:$0x1E400] =	vst v63  }
0xfa: {  	s17 =	sand.u32 $0x7C00, s11;
	_ =	swait.ge [sflag:s16], $0x80  }
0xfb: {  	s11 =	sand.u32 $0x380, s11;
	s12 =	sadd.s32 s7, s17;
	[sflag:s16] =	ssyncset.done $0x0  }
0xfc: {  	s11 =	sor.u32 s11, s12;
	[sflag:s16] =	ssyncadd.s32 $0xFFFFFF80  }
0xfd: {  	[spmem:s2] =	stream.indirect.scatter.add.f32 [tilespmem:s22], [sflag:$0x10], $0x80, s25, s18, $0xb8;
	[tilespmem:$0x1E400] =	vst v63  }
0xfe: {  	s11 =	sshrl.u32 s11, $0x3;
	s22 =	sadd.s32 $0x280, s23  }
0xff: {  	s11 =	sadd.s32 s5, s11;
	s28 =	sand.u32 $0x7C00, s22  }
0x100: {  	[tilespmem:s19], [sflag:$0x8] =	stream.linear.gather [hbm4b:s11+s3], $0x80, $0x38;
	[tilespmem:$0x1E400] =	vst v63  }
.Ltmp4:
0x101: {  	s12 =	sadd.s32 s7, s28;
	s11 =	sand.u32 $0x280, s22;
	(pc) =	sbr.rel .LBB2_4-.Ltmp4, $4  }
0x102: {  	s11 =	sor.u32 s11, s12  }
0x103: {  	s17 =	simm.s32 $0x180;
	s13 =	simm.s32 $0x280;
	s11 =	sshrl.u32 s11, $0x3  }
0x104: {  	s23 =	sadd.s32 $0x200, s23;
	s22 =	simm.s32 $0x7C00;
	s11 =	sadd.s32 s6, s11  }
0x105: {  	[tilespmem:s31], [sflag:$0xA] =	stream.linear.gather [hbm4b:s11+s3], $0x80, $0x38;
	[tilespmem:$0x1E400] =	vst v63  }
.LBB2_7:
0x106: {  	_ =	sfence.sel $0x180000  }
0x107: {  	[bflag:$0x0] =	sbarrier.arrive $0xFFFF  }
0x108: {  	_ =	strace $0x90000047  }
0x109: {  	s0 =	stileid.u32;
	[bflag:$0x2] =	sbarrier.arrive $0xFFFF  }
0x10a: {  	p0 =	sne.s32 s0, $0x0;
	s0 =	rddreg [dreg:$0x3]  }
0x10b: {  	s0 =	sadd.s32 @!p0 $0x100000, s0  }
0x10c: {  	[sflag:s0] =	ssyncadd.tile.s32 @!p0 $0x1;
	_ =	shalt  }
.Lfunc_end2:
_tile_overlayer_lowered:
.L_overlay_start_2:
0x10d: {  	(tag) =	ssettag $0x2  }
0x10e: {  	s0 =	rddreg [dreg:$0x0];
	s2 =	stileid.u32  }
0x10f: {  	s1 =	rddreg [dreg:$0x1];
	p0 =	sne.s32 s2, $0x0  }
0x110: {  	s3 =	rddreg [dreg:$0x2];
	[bflag:$0x3] =	sbarrier.arrive $0xFFFF;
	s2 =	simm.s32 @!p0 $0x1C11  }
0x111: {  	[timem:s3], [sflag:s2] =	dma.local @!p0 [hbm:s0], s1  }
0x112: {  	s0 =	simm.s32 @!p0 $0x11  }
0x113: {  	_ =	swait.ge @!p0 [sflag:s0], s1  }
0x114: {  	s1 =	ssub.s32 @!p0 $0x0, s1;
	[sflag:s0] =	ssyncset.done @!p0 $0x0  }
0x115: {  	[sflag:s0] =	ssyncadd.s32 @!p0 s1  }
0x116: {  	[bflag:$0x3] =	sbarrier.arrive $0xFFFF  }
0x117: {  	_ =	shalt  }

</sc_bundles>
